<compile_context>
chip_gen: v7x
topology: tpu7x:2x2x1
jax: 0.10.2.dev20260603
libtpu: 0.0.44.dev20260713+nightly
codegen_flags: <defaults>
</compile_context>

<pallas_src>
import jax
import jax.numpy as jnp
from jax import lax
from jax.experimental import pallas as pl
from jax.experimental.pallas import tpu as pltpu
from jax.experimental.pallas import tpu_sc as plsc

_N = 10000
_E = 320000
_EPS = 1e-5

_NC, _NS = 2, 16
_NW = _NC * _NS
_EW = _E // _NW
_CH = 80
_NCH = _EW // _CH
_NP = 10112
_RS = _NP // _NS


def _make_seg_sum(width):

    def body(h, srcs, dsts, zeros, out, src_v, dst_v, rows0, rows1, sem0,
             sem1, acc):
        c = lax.axis_index("c")
        s = lax.axis_index("s")
        wid = c * _NS + s
        pltpu.sync_copy(zeros.at[pl.ds(s * _RS, _RS)],
                        acc.at[pl.ds(s * _RS, _RS)])
        pltpu.sync_copy(srcs.at[wid], src_v)
        pltpu.sync_copy(dsts.at[wid], dst_v)
        plsc.subcore_barrier()

        pltpu.async_copy(h.at[src_v.at[0]], rows0, sem0)

        def step(i, carry):
            j0 = 2 * i
            pltpu.async_copy(h.at[src_v.at[j0 + 1]], rows1, sem1)
            pltpu.make_async_copy(h.at[src_v.at[j0]], rows0, sem0).wait()
            pltpu.sync_copy(rows0, acc.at[dst_v.at[j0]], add=True)
            pltpu.async_copy(h.at[src_v.at[j0 + 2]], rows0, sem0)
            pltpu.make_async_copy(h.at[src_v.at[j0 + 1]], rows1, sem1).wait()
            pltpu.sync_copy(rows1, acc.at[dst_v.at[j0 + 1]], add=True)
            return carry

        lax.fori_loop(0, (_NCH - 1) // 2, step, 0)
        pltpu.make_async_copy(h.at[src_v.at[_NCH - 1]], rows0, sem0).wait()
        pltpu.sync_copy(rows0, acc.at[dst_v.at[_NCH - 1]], add=True)

        plsc.subcore_barrier()
        pltpu.sync_copy(acc.at[pl.ds(s * _RS, _RS)],
                        out.at[c, pl.ds(s * _RS, _RS)])

    return pl.kernel(
        body,
        out_type=jax.ShapeDtypeStruct((_NC, _NP, width), jnp.float32),
        mesh=plsc.VectorSubcoreMesh(core_axis_name="c", subcore_axis_name="s",
                                    num_cores=_NC, num_subcores=_NS),
        scratch_types=[
            pltpu.VMEM((_NCH, _CH), jnp.int32),
            pltpu.VMEM((_NCH, _CH), jnp.int32),
            pltpu.VMEM((_CH, width), jnp.float32),
            pltpu.VMEM((_CH, width), jnp.float32),
            pltpu.SemaphoreType.DMA,
            pltpu.SemaphoreType.DMA,
            pltpu.VMEM_SHARED((_NP, width), jnp.float32),
        ],
        compiler_params=pltpu.CompilerParams(use_tc_tiling_on_sc=False),
    )


_seg128 = _make_seg_sum(128)
_seg32 = _make_seg_sum(32)


def _bn_relu(z, g, be):
    mu = jnp.mean(z, axis=0, keepdims=True)
    var = jnp.var(z, axis=0, keepdims=True)
    return jnp.maximum(g * (z - mu) / jnp.sqrt(var + _EPS) + be, 0.0)


def _gin_body(h, p, wa, ba, g, be, wb, bb, xout, sout):
    z = jnp.dot(h[...] + p[0, :_N] + p[1, :_N], wa[...]) + ba[...]
    h1 = _bn_relu(z, g[...], be[...])
    x = jnp.maximum(jnp.dot(h1, wb[...]) + bb[...], 0.0)
    xout[...] = x
    sout[...] = jnp.sum(x, axis=1, keepdims=True)


def _gin_call(h, p, Wa, ba, g, be, Wb, bb):
    fn = pl.pallas_call(
        _gin_body,
        out_shape=(jax.ShapeDtypeStruct((_N, Wb.shape[1]), jnp.float32),
                   jax.ShapeDtypeStruct((_N, 1), jnp.float32)))
    r2 = lambda v: v.reshape(1, -1)
    return fn(h, p, Wa, r2(ba), r2(g), r2(be), Wb, r2(bb))


def _final_body(h, p, w5, b5, g, be, w6, b6, x1s, x2s, wf1, bf1, wf2, bf2,
                r_ref, x3s_ref):
    z = jnp.dot(h[...] + p[0, :_N] + p[1, :_N], w5[...]) + b5[...]
    h1 = _bn_relu(z, g[...], be[...])
    x3 = jnp.maximum(jnp.dot(h1, w6[...]) + b6[...], 0.0)
    x3s_ref[...] = x3
    cgate = 1.0 / (1.0 + jnp.exp(-x3))
    wf1v = wf1[...]
    t = (x1s[...] * wf1v[0:1, :] + x2s[...] * wf1v[1:2, :]
         + x3 * wf1v[2:3, :] + cgate * wf1v[3:4, :] + bf1[...])
    t = jnp.maximum(t, 0.0)
    r_ref[...] = jnp.dot(t, wf2[...]) + bf2[...]


_final = pl.pallas_call(
    _final_body,
    out_shape=(jax.ShapeDtypeStruct((_N, 1), jnp.float32),
               jax.ShapeDtypeStruct((_N, 1), jnp.float32)))


def kernel(x, edge_index, W1, b1, g1, be1, W2, b2, W3, b3, g2, be2, W4, b4,
           W5, b5, g3, be3, W6, b6, Wf1, bf1, Wf2, bf2):
    ei = edge_index.astype(jnp.int32)
    srcs = ei[0].reshape(_NW, _NCH, _CH)
    dsts = ei[1].reshape(_NW, _NCH, _CH)
    z128 = jnp.zeros((_NP, 128), jnp.float32)
    z32 = jnp.zeros((_NP, 32), jnp.float32)
    r2 = lambda v: v.reshape(1, -1)

    p1 = _seg128(x, srcs, dsts, z128)
    x1, x1s = _gin_call(x, p1, W1, b1, g1, be1, W2, b2)
    p2 = _seg32(x1, srcs, dsts, z32)
    x2, x2s = _gin_call(x1, p2, W3, b3, g2, be2, W4, b4)
    p3 = _seg32(x2, srcs, dsts, z32)
    r, x3s = _final(x2, p3, W5, r2(b5), r2(g3), r2(be3), W6, r2(b6),
                    x1s, x2s, Wf1, r2(bf1), Wf2, r2(bf2))
    return (r, x3s)

# --- scband reference (transcript-rebuilt; emitter-appended) ---
"""Pipeline reference for scband-gin-26963804684653 (READ-ONLY COPY).

The authoritative reference and input builder live on the scoring server;
editing this copy changes nothing except your own understanding.
"""

import jax, jax.numpy as jnp
import numpy as np

N_NODES = 10000
N_EDGES = 320000
D_FEAT = 128
BN_EPS = 1e-5


def _linear_init(key, fan_in, fan_out):
    k1, k2 = jax.random.split(key)
    bound = 1.0 / np.sqrt(fan_in)
    W = jax.random.uniform(k1, (fan_in, fan_out), jnp.float32, -bound, bound)
    b = jax.random.uniform(k2, (fan_out,), jnp.float32, -bound, bound)
    return W, b


def setup_inputs(seed: int = 0):
    key = jax.random.key(seed)
    ks = jax.random.split(key, 12)
    x = jax.random.normal(ks[0], (N_NODES, D_FEAT), jnp.float32)
    edge_index = jax.random.randint(ks[1], (2, N_EDGES), 0, N_NODES, jnp.int64)
    p = {}
    p['W1'], p['b1'] = _linear_init(ks[2], D_FEAT, 32)
    p['g1'] = jnp.ones((32,), jnp.float32); p['be1'] = jnp.zeros((32,), jnp.float32)
    p['W2'], p['b2'] = _linear_init(ks[3], 32, 32)
    p['W3'], p['b3'] = _linear_init(ks[4], 32, 32)
    p['g2'] = jnp.ones((32,), jnp.float32); p['be2'] = jnp.zeros((32,), jnp.float32)
    p['W4'], p['b4'] = _linear_init(ks[5], 32, 32)
    p['W5'], p['b5'] = _linear_init(ks[6], 32, 32)
    p['g3'] = jnp.ones((32,), jnp.float32); p['be3'] = jnp.zeros((32,), jnp.float32)
    p['W6'], p['b6'] = _linear_init(ks[7], 32, 1)
    p['Wf1'], p['bf1'] = _linear_init(ks[8], 4, 32)
    p['Wf2'], p['bf2'] = _linear_init(ks[9], 32, 1)
    return {'x': x, 'edge_index': edge_index, **p}


def _bn(h, g, b):
    mu = jnp.mean(h, axis=0, keepdims=True)
    var = jnp.var(h, axis=0, keepdims=True)
    return g * (h - mu) / jnp.sqrt(var + BN_EPS) + b


def reference(x, edge_index, W1, b1, g1, be1, W2, b2, W3, b3, g2, be2, W4, b4, W5, b5, g3, be3, W6, b6, Wf1, bf1, Wf2, bf2):
    N = x.shape[0]
    src = edge_index[0]
    dst = edge_index[1]

    def gin_conv(h, Wa, ba, g, be, Wb, bb):
        # GINConv with eps=0: mlp((1+eps)*x + sum_{j in N(i)} x_j)
        agg = jax.ops.segment_sum(h[src], dst, num_segments=N)
        z = h + agg
        z = z @ Wa + ba
        z = _bn(z, g, be)
        z = jax.nn.relu(z)
        z = z @ Wb + bb
        return jax.nn.relu(z)

    x1 = gin_conv(x, W1, b1, g1, be1, W2, b2)
    x2 = gin_conv(x1, W3, b3, g2, be2, W4, b4)
    x3 = gin_conv(x2, W5, b5, g3, be3, W6, b6)
    x1s = jnp.sum(x1, axis=1, keepdims=True)
    x2s = jnp.sum(x2, axis=1, keepdims=True)
    x3s = jnp.sum(x3, axis=1, keepdims=True)
    c = jax.nn.sigmoid(x3s)
    h = jnp.concatenate([x1s, x2s, x3s], axis=1)
    xx = jnp.concatenate([h, c], axis=1)
    r = jax.nn.relu(xx @ Wf1 + bf1)
    # dropout p=0.5 is identity in eval mode
    r = r @ Wf2 + bf2
    return (r, x3s)

if __name__ == "__main__":
    import jax
    _d = setup_inputs()
    print(jax.jit(kernel)(*tuple(_d.values())))

</pallas_src>

<mosaic_0001>
#map = affine_map<(d0, d1) -> (0, 0)>
#map1 = affine_map<(d0, d1) -> (0, 0, 0)>
module attributes {stable_mosaic.version = 14 : i64} {
  func.func @body(%arg0: i32, %arg1: i32, %arg2: memref<10000x32xf32, #tpu.memory_space<hbm>>, %arg3: memref<32x125x80xi32, #tpu.memory_space<hbm>>, %arg4: memref<32x125x80xi32, #tpu.memory_space<hbm>>, %arg5: memref<10112x32xf32, #tpu.memory_space<hbm>>, %arg6: memref<2x10112x32xf32, #tpu.memory_space<hbm>>, %arg7: memref<125x80xi32, #tpu.memory_space<vmem>>, %arg8: memref<125x80xi32, #tpu.memory_space<vmem>>, %arg9: memref<80x32xf32, #tpu.memory_space<vmem>>, %arg10: memref<80x32xf32, #tpu.memory_space<vmem>>, %arg11: memref<!tpu.dma_semaphore, #tpu.memory_space<semaphore_mem>>, %arg12: memref<!tpu.dma_semaphore, #tpu.memory_space<semaphore_mem>>, %arg13: memref<10112x32xf32, #tpu.memory_space<vmem_shared>>) attributes {dimension_semantics = [#tpu.dimension_semantics<core_parallel>, #tpu.dimension_semantics<subcore_parallel>], iteration_bounds = array<i64: 2, 16>, scalar_prefetch = 0 : i64, scratch_operands = 7 : i64, tpu.core_type = #tpu.core_type<sc_vector_subcore>, window_params = [{transform_indices = #map}, {transform_indices = #map1}, {transform_indices = #map1}, {transform_indices = #map}, {transform_indices = #map1}]} {
    %mul3A = arith.constant 16 : i32
    %mul3A_0 = arith.muli %arg0, %mul3A : i32
    %add3A = arith.addi %mul3A_0, %arg1 : i32
    %mul3A_1 = arith.constant 632 : i32
    %mul3A_2 = arith.muli %arg1, %mul3A_1 : i32
    %mul3A_3 = arith.constant 632 : i32
    %mul3A_4 = arith.muli %arg1, %mul3A_3 : i32
    "tpu.region"() ({
      %run_scoped3A_27 = tpu.sem_alloc : memref<!tpu.dma_semaphore, #tpu.memory_space<semaphore_mem>>
      %dma_start3A_28 = arith.constant 0 : i32
      %dma_start3A_29 = tpu.memref_slice %arg13[%mul3A_4, %dma_start3A_28] : memref<10112x32xf32, #tpu.memory_space<vmem_shared>> -> memref<632x32xf32, #tpu.memory_space<vmem_shared>>
      %dma_start3A_30 = arith.constant 0 : i32
      %dma_start3A_31 = tpu.memref_slice %arg5[%mul3A_2, %dma_start3A_30] : memref<10112x32xf32, #tpu.memory_space<hbm>> -> memref<632x32xf32, #tpu.memory_space<hbm>>
      tpu.enqueue_dma source(%dma_start3A_31 : memref<632x32xf32, #tpu.memory_space<hbm>>) target(%dma_start3A_29 : memref<632x32xf32, #tpu.memory_space<vmem_shared>>) target_semaphore(%run_scoped3A_27 : memref<!tpu.dma_semaphore, #tpu.memory_space<semaphore_mem>>)
      %dma_wait3A_32 = arith.constant 0 : i32
      %dma_wait3A_33 = tpu.memref_slice %arg13[%mul3A_4, %dma_wait3A_32] : memref<10112x32xf32, #tpu.memory_space<vmem_shared>> -> memref<632x32xf32, #tpu.memory_space<vmem_shared>>
      %dma_wait3A_34 = arith.constant 0 : i32
      %dma_wait3A_35 = tpu.memref_slice %arg5[%mul3A_2, %dma_wait3A_34] : memref<10112x32xf32, #tpu.memory_space<hbm>> -> memref<632x32xf32, #tpu.memory_space<hbm>>
      tpu.wait_dma2 semaphore(%run_scoped3A_27 : memref<!tpu.dma_semaphore, #tpu.memory_space<semaphore_mem>>) src(%dma_wait3A_35 : memref<632x32xf32, #tpu.memory_space<hbm>>) dst(%dma_wait3A_33 : memref<632x32xf32, #tpu.memory_space<vmem_shared>>)
      tpu.yield
    }) : () -> ()
    "tpu.region"() ({
      %run_scoped3A_27 = tpu.sem_alloc : memref<!tpu.dma_semaphore, #tpu.memory_space<semaphore_mem>>
      %dma_start3A_28 = arith.constant 0 : i32
      %dma_start3A_29 = arith.constant 0 : i32
      %dma_start3A_30 = tpu.memref_slice %arg3[%add3A, %dma_start3A_28, %dma_start3A_29] : memref<32x125x80xi32, #tpu.memory_space<hbm>> -> memref<1x125x80xi32, #tpu.memory_space<hbm>>
      %dma_start3A_31 = tpu.memref_squeeze %dma_start3A_30 : memref<1x125x80xi32, #tpu.memory_space<hbm>> -> memref<125x80xi32, #tpu.memory_space<hbm>>
      %dma_start3A_32 = arith.constant 0 : i32
      %dma_start3A_33 = arith.constant 0 : i32
      %dma_start3A_34 = tpu.memref_slice %arg3[%add3A, %dma_start3A_32, %dma_start3A_33] : memref<32x125x80xi32, #tpu.memory_space<hbm>> -> memref<1x125x80xi32, #tpu.memory_space<hbm>>
      %dma_start3A_35 = tpu.memref_squeeze %dma_start3A_34 : memref<1x125x80xi32, #tpu.memory_space<hbm>> -> memref<125x80xi32, #tpu.memory_space<hbm>>
      tpu.enqueue_dma source(%dma_start3A_35 : memref<125x80xi32, #tpu.memory_space<hbm>>) target(%arg7 : memref<125x80xi32, #tpu.memory_space<vmem>>) target_semaphore(%run_scoped3A_27 : memref<!tpu.dma_semaphore, #tpu.memory_space<semaphore_mem>>)
      %dma_wait3A_36 = arith.constant 0 : i32
      %dma_wait3A_37 = arith.constant 0 : i32
      %dma_wait3A_38 = tpu.memref_slice %arg3[%add3A, %dma_wait3A_36, %dma_wait3A_37] : memref<32x125x80xi32, #tpu.memory_space<hbm>> -> memref<1x125x80xi32, #tpu.memory_space<hbm>>
      %dma_wait3A_39 = tpu.memref_squeeze %dma_wait3A_38 : memref<1x125x80xi32, #tpu.memory_space<hbm>> -> memref<125x80xi32, #tpu.memory_space<hbm>>
      %dma_wait3A_40 = arith.constant 0 : i32
      %dma_wait3A_41 = arith.constant 0 : i32
      %dma_wait3A_42 = tpu.memref_slice %arg3[%add3A, %dma_wait3A_40, %dma_wait3A_41] : memref<32x125x80xi32, #tpu.memory_space<hbm>> -> memref<1x125x80xi32, #tpu.memory_space<hbm>>
      %dma_wait3A_43 = tpu.memref_squeeze %dma_wait3A_42 : memref<1x125x80xi32, #tpu.memory_space<hbm>> -> memref<125x80xi32, #tpu.memory_space<hbm>>
      tpu.wait_dma2 semaphore(%run_scoped3A_27 : memref<!tpu.dma_semaphore, #tpu.memory_space<semaphore_mem>>) src(%dma_wait3A_43 : memref<125x80xi32, #tpu.memory_space<hbm>>) dst(%arg7 : memref<125x80xi32, #tpu.memory_space<vmem>>)
      tpu.yield
    }) : () -> ()
    "tpu.region"() ({
      %run_scoped3A_27 = tpu.sem_alloc : memref<!tpu.dma_semaphore, #tpu.memory_space<semaphore_mem>>
      %dma_start3A_28 = arith.constant 0 : i32
      %dma_start3A_29 = arith.constant 0 : i32
      %dma_start3A_30 = tpu.memref_slice %arg4[%add3A, %dma_start3A_28, %dma_start3A_29] : memref<32x125x80xi32, #tpu.memory_space<hbm>> -> memref<1x125x80xi32, #tpu.memory_space<hbm>>
      %dma_start3A_31 = tpu.memref_squeeze %dma_start3A_30 : memref<1x125x80xi32, #tpu.memory_space<hbm>> -> memref<125x80xi32, #tpu.memory_space<hbm>>
      %dma_start3A_32 = arith.constant 0 : i32
      %dma_start3A_33 = arith.constant 0 : i32
      %dma_start3A_34 = tpu.memref_slice %arg4[%add3A, %dma_start3A_32, %dma_start3A_33] : memref<32x125x80xi32, #tpu.memory_space<hbm>> -> memref<1x125x80xi32, #tpu.memory_space<hbm>>
      %dma_start3A_35 = tpu.memref_squeeze %dma_start3A_34 : memref<1x125x80xi32, #tpu.memory_space<hbm>> -> memref<125x80xi32, #tpu.memory_space<hbm>>
      tpu.enqueue_dma source(%dma_start3A_35 : memref<125x80xi32, #tpu.memory_space<hbm>>) target(%arg8 : memref<125x80xi32, #tpu.memory_space<vmem>>) target_semaphore(%run_scoped3A_27 : memref<!tpu.dma_semaphore, #tpu.memory_space<semaphore_mem>>)
      %dma_wait3A_36 = arith.constant 0 : i32
      %dma_wait3A_37 = arith.constant 0 : i32
      %dma_wait3A_38 = tpu.memref_slice %arg4[%add3A, %dma_wait3A_36, %dma_wait3A_37] : memref<32x125x80xi32, #tpu.memory_space<hbm>> -> memref<1x125x80xi32, #tpu.memory_space<hbm>>
      %dma_wait3A_39 = tpu.memref_squeeze %dma_wait3A_38 : memref<1x125x80xi32, #tpu.memory_space<hbm>> -> memref<125x80xi32, #tpu.memory_space<hbm>>
      %dma_wait3A_40 = arith.constant 0 : i32
      %dma_wait3A_41 = arith.constant 0 : i32
      %dma_wait3A_42 = tpu.memref_slice %arg4[%add3A, %dma_wait3A_40, %dma_wait3A_41] : memref<32x125x80xi32, #tpu.memory_space<hbm>> -> memref<1x125x80xi32, #tpu.memory_space<hbm>>
      %dma_wait3A_43 = tpu.memref_squeeze %dma_wait3A_42 : memref<1x125x80xi32, #tpu.memory_space<hbm>> -> memref<125x80xi32, #tpu.memory_space<hbm>>
      tpu.wait_dma2 semaphore(%run_scoped3A_27 : memref<!tpu.dma_semaphore, #tpu.memory_space<semaphore_mem>>) src(%dma_wait3A_43 : memref<125x80xi32, #tpu.memory_space<hbm>>) dst(%arg8 : memref<125x80xi32, #tpu.memory_space<vmem>>)
      tpu.yield
    }) : () -> ()
    %barrier3A = arith.constant 0 : index
    tpu.barrier barrier_id(%barrier3A)
    %dma_start3A = arith.constant 0 : i32
    %dma_start3A_5 = arith.constant 0 : i32
    %dma_start3A_6 = tpu.memref_slice %arg7[%dma_start3A, %dma_start3A_5] : memref<125x80xi32, #tpu.memory_space<vmem>> -> memref<1x80xi32, #tpu.memory_space<vmem>>
    %dma_start3A_7 = tpu.memref_squeeze %dma_start3A_6 : memref<1x80xi32, #tpu.memory_space<vmem>> -> memref<80xi32, #tpu.memory_space<vmem>>
    %dma_start3A_8 = arith.constant 0 : i32
    %dma_start3A_9 = arith.constant 0 : i32
    %dma_start3A_10 = tpu.memref_slice %arg2[%dma_start3A_8, %dma_start3A_9] : memref<10000x32xf32, #tpu.memory_space<hbm>> -> memref<10000x32xf32, #tpu.memory_space<hbm>>
    tpu.enqueue_indirect_dma source(%dma_start3A_10 : memref<10000x32xf32, #tpu.memory_space<hbm>>) target(%arg9 : memref<80x32xf32, #tpu.memory_space<vmem>>) offsets(%dma_start3A_7 : memref<80xi32, #tpu.memory_space<vmem>>) semaphore(%arg11 : memref<!tpu.dma_semaphore, #tpu.memory_space<semaphore_mem>>)
    %scan3A = arith.constant 0 : i32
    %scan3A_11 = arith.constant 0 : i32
    %scan3A_12 = arith.constant 62 : i32
    %scan3A_13 = arith.addi %scan3A_11, %scan3A_12 : i32
    %scan3A_14 = arith.constant 1 : i32
    scf.for %scan3A_27 = %scan3A_11 to %scan3A_13 step %scan3A_14  : i32 {
      %mul3A_28 = arith.constant 2 : i32
      %mul3A_29 = arith.muli %mul3A_28, %scan3A_27 : i32
      %add3A_30 = arith.constant 1 : i32
      %add3A_31 = arith.addi %mul3A_29, %add3A_30 : i32
      %dma_start3A_32 = arith.constant 0 : i32
      %dma_start3A_33 = tpu.memref_slice %arg7[%add3A_31, %dma_start3A_32] : memref<125x80xi32, #tpu.memory_space<vmem>> -> memref<1x80xi32, #tpu.memory_space<vmem>>
      %dma_start3A_34 = tpu.memref_squeeze %dma_start3A_33 : memref<1x80xi32, #tpu.memory_space<vmem>> -> memref<80xi32, #tpu.memory_space<vmem>>
      %dma_start3A_35 = arith.constant 0 : i32
      %dma_start3A_36 = arith.constant 0 : i32
      %dma_start3A_37 = tpu.memref_slice %arg2[%dma_start3A_35, %dma_start3A_36] : memref<10000x32xf32, #tpu.memory_space<hbm>> -> memref<10000x32xf32, #tpu.memory_space<hbm>>
      tpu.enqueue_indirect_dma source(%dma_start3A_37 : memref<10000x32xf32, #tpu.memory_space<hbm>>) target(%arg10 : memref<80x32xf32, #tpu.memory_space<vmem>>) offsets(%dma_start3A_34 : memref<80xi32, #tpu.memory_space<vmem>>) semaphore(%arg12 : memref<!tpu.dma_semaphore, #tpu.memory_space<semaphore_mem>>)
      %dma_wait3A_38 = arith.constant 0 : i32
      %dma_wait3A_39 = tpu.memref_slice %arg7[%mul3A_29, %dma_wait3A_38] : memref<125x80xi32, #tpu.memory_space<vmem>> -> memref<1x80xi32, #tpu.memory_space<vmem>>
      %dma_wait3A_40 = tpu.memref_squeeze %dma_wait3A_39 : memref<1x80xi32, #tpu.memory_space<vmem>> -> memref<80xi32, #tpu.memory_space<vmem>>
      %dma_wait3A_41 = arith.constant 0 : i32
      %dma_wait3A_42 = arith.constant 0 : i32
      %dma_wait3A_43 = tpu.memref_slice %arg2[%dma_wait3A_41, %dma_wait3A_42] : memref<10000x32xf32, #tpu.memory_space<hbm>> -> memref<10000x32xf32, #tpu.memory_space<hbm>>
      tpu.wait_indirect_dma semaphore(%arg11 : memref<!tpu.dma_semaphore, #tpu.memory_space<semaphore_mem>>) src(%dma_wait3A_43 : memref<10000x32xf32, #tpu.memory_space<hbm>>) dst(%arg9 : memref<80x32xf32, #tpu.memory_space<vmem>>)
      "tpu.region"() ({
        %run_scoped3A_62 = tpu.sem_alloc : memref<!tpu.dma_semaphore, #tpu.memory_space<semaphore_mem>>
        %dma_start3A_63 = arith.constant 0 : i32
        %dma_start3A_64 = tpu.memref_slice %arg8[%mul3A_29, %dma_start3A_63] : memref<125x80xi32, #tpu.memory_space<vmem>> -> memref<1x80xi32, #tpu.memory_space<vmem>>
        %dma_start3A_65 = tpu.memref_squeeze %dma_start3A_64 : memref<1x80xi32, #tpu.memory_space<vmem>> -> memref<80xi32, #tpu.memory_space<vmem>>
        %dma_start3A_66 = arith.constant 0 : i32
        %dma_start3A_67 = arith.constant 0 : i32
        %dma_start3A_68 = tpu.memref_slice %arg13[%dma_start3A_66, %dma_start3A_67] : memref<10112x32xf32, #tpu.memory_space<vmem_shared>> -> memref<10112x32xf32, #tpu.memory_space<vmem_shared>>
        tpu.enqueue_indirect_dma source(%arg9 : memref<80x32xf32, #tpu.memory_space<vmem>>) target(%dma_start3A_68 : memref<10112x32xf32, #tpu.memory_space<vmem_shared>>) offsets(%dma_start3A_65 : memref<80xi32, #tpu.memory_space<vmem>>) semaphore(%run_scoped3A_62 : memref<!tpu.dma_semaphore, #tpu.memory_space<semaphore_mem>>) {add = true}
        %dma_wait3A_69 = arith.constant 0 : i32
        %dma_wait3A_70 = tpu.memref_slice %arg8[%mul3A_29, %dma_wait3A_69] : memref<125x80xi32, #tpu.memory_space<vmem>> -> memref<1x80xi32, #tpu.memory_space<vmem>>
        %dma_wait3A_71 = tpu.memref_squeeze %dma_wait3A_70 : memref<1x80xi32, #tpu.memory_space<vmem>> -> memref<80xi32, #tpu.memory_space<vmem>>
        %dma_wait3A_72 = arith.constant 0 : i32
        %dma_wait3A_73 = arith.constant 0 : i32
        %dma_wait3A_74 = tpu.memref_slice %arg13[%dma_wait3A_72, %dma_wait3A_73] : memref<10112x32xf32, #tpu.memory_space<vmem_shared>> -> memref<10112x32xf32, #tpu.memory_space<vmem_shared>>
        tpu.wait_indirect_dma semaphore(%run_scoped3A_62 : memref<!tpu.dma_semaphore, #tpu.memory_space<semaphore_mem>>) src(%arg9 : memref<80x32xf32, #tpu.memory_space<vmem>>) dst(%dma_wait3A_74 : memref<10112x32xf32, #tpu.memory_space<vmem_shared>>)
        tpu.yield
      }) : () -> ()
      %add3A_44 = arith.constant 2 : i32
      %add3A_45 = arith.addi %mul3A_29, %add3A_44 : i32
      %dma_start3A_46 = arith.constant 0 : i32
      %dma_start3A_47 = tpu.memref_slice %arg7[%add3A_45, %dma_start3A_46] : memref<125x80xi32, #tpu.memory_space<vmem>> -> memref<1x80xi32, #tpu.memory_space<vmem>>
      %dma_start3A_48 = tpu.memref_squeeze %dma_start3A_47 : memref<1x80xi32, #tpu.memory_space<vmem>> -> memref<80xi32, #tpu.memory_space<vmem>>
      %dma_start3A_49 = arith.constant 0 : i32
      %dma_start3A_50 = arith.constant 0 : i32
      %dma_start3A_51 = tpu.memref_slice %arg2[%dma_start3A_49, %dma_start3A_50] : memref<10000x32xf32, #tpu.memory_space<hbm>> -> memref<10000x32xf32, #tpu.memory_space<hbm>>
      tpu.enqueue_indirect_dma source(%dma_start3A_51 : memref<10000x32xf32, #tpu.memory_space<hbm>>) target(%arg9 : memref<80x32xf32, #tpu.memory_space<vmem>>) offsets(%dma_start3A_48 : memref<80xi32, #tpu.memory_space<vmem>>) semaphore(%arg11 : memref<!tpu.dma_semaphore, #tpu.memory_space<semaphore_mem>>)
      %add3A_52 = arith.constant 1 : i32
      %add3A_53 = arith.addi %mul3A_29, %add3A_52 : i32
      %dma_wait3A_54 = arith.constant 0 : i32
      %dma_wait3A_55 = tpu.memref_slice %arg7[%add3A_53, %dma_wait3A_54] : memref<125x80xi32, #tpu.memory_space<vmem>> -> memref<1x80xi32, #tpu.memory_space<vmem>>
      %dma_wait3A_56 = tpu.memref_squeeze %dma_wait3A_55 : memref<1x80xi32, #tpu.memory_space<vmem>> -> memref<80xi32, #tpu.memory_space<vmem>>
      %dma_wait3A_57 = arith.constant 0 : i32
      %dma_wait3A_58 = arith.constant 0 : i32
      %dma_wait3A_59 = tpu.memref_slice %arg2[%dma_wait3A_57, %dma_wait3A_58] : memref<10000x32xf32, #tpu.memory_space<hbm>> -> memref<10000x32xf32, #tpu.memory_space<hbm>>
      tpu.wait_indirect_dma semaphore(%arg12 : memref<!tpu.dma_semaphore, #tpu.memory_space<semaphore_mem>>) src(%dma_wait3A_59 : memref<10000x32xf32, #tpu.memory_space<hbm>>) dst(%arg10 : memref<80x32xf32, #tpu.memory_space<vmem>>)
      %add3A_60 = arith.constant 1 : i32
      %add3A_61 = arith.addi %mul3A_29, %add3A_60 : i32
      "tpu.region"() ({
        %run_scoped3A_62 = tpu.sem_alloc : memref<!tpu.dma_semaphore, #tpu.memory_space<semaphore_mem>>
        %dma_start3A_63 = arith.constant 0 : i32
        %dma_start3A_64 = tpu.memref_slice %arg8[%add3A_61, %dma_start3A_63] : memref<125x80xi32, #tpu.memory_space<vmem>> -> memref<1x80xi32, #tpu.memory_space<vmem>>
        %dma_start3A_65 = tpu.memref_squeeze %dma_start3A_64 : memref<1x80xi32, #tpu.memory_space<vmem>> -> memref<80xi32, #tpu.memory_space<vmem>>
        %dma_start3A_66 = arith.constant 0 : i32
        %dma_start3A_67 = arith.constant 0 : i32
        %dma_start3A_68 = tpu.memref_slice %arg13[%dma_start3A_66, %dma_start3A_67] : memref<10112x32xf32, #tpu.memory_space<vmem_shared>> -> memref<10112x32xf32, #tpu.memory_space<vmem_shared>>
        tpu.enqueue_indirect_dma source(%arg10 : memref<80x32xf32, #tpu.memory_space<vmem>>) target(%dma_start3A_68 : memref<10112x32xf32, #tpu.memory_space<vmem_shared>>) offsets(%dma_start3A_65 : memref<80xi32, #tpu.memory_space<vmem>>) semaphore(%run_scoped3A_62 : memref<!tpu.dma_semaphore, #tpu.memory_space<semaphore_mem>>) {add = true}
        %dma_wait3A_69 = arith.constant 0 : i32
        %dma_wait3A_70 = tpu.memref_slice %arg8[%add3A_61, %dma_wait3A_69] : memref<125x80xi32, #tpu.memory_space<vmem>> -> memref<1x80xi32, #tpu.memory_space<vmem>>
        %dma_wait3A_71 = tpu.memref_squeeze %dma_wait3A_70 : memref<1x80xi32, #tpu.memory_space<vmem>> -> memref<80xi32, #tpu.memory_space<vmem>>
        %dma_wait3A_72 = arith.constant 0 : i32
        %dma_wait3A_73 = arith.constant 0 : i32
        %dma_wait3A_74 = tpu.memref_slice %arg13[%dma_wait3A_72, %dma_wait3A_73] : memref<10112x32xf32, #tpu.memory_space<vmem_shared>> -> memref<10112x32xf32, #tpu.memory_space<vmem_shared>>
        tpu.wait_indirect_dma semaphore(%run_scoped3A_62 : memref<!tpu.dma_semaphore, #tpu.memory_space<semaphore_mem>>) src(%arg10 : memref<80x32xf32, #tpu.memory_space<vmem>>) dst(%dma_wait3A_74 : memref<10112x32xf32, #tpu.memory_space<vmem_shared>>)
        tpu.yield
      }) : () -> ()
    }
    %scan3A_15 = arith.constant 62 : i32
    %dma_wait3A = arith.constant 124 : i32
    %dma_wait3A_16 = arith.constant 0 : i32
    %dma_wait3A_17 = tpu.memref_slice %arg7[%dma_wait3A, %dma_wait3A_16] : memref<125x80xi32, #tpu.memory_space<vmem>> -> memref<1x80xi32, #tpu.memory_space<vmem>>
    %dma_wait3A_18 = tpu.memref_squeeze %dma_wait3A_17 : memref<1x80xi32, #tpu.memory_space<vmem>> -> memref<80xi32, #tpu.memory_space<vmem>>
    %dma_wait3A_19 = arith.constant 0 : i32
    %dma_wait3A_20 = arith.constant 0 : i32
    %dma_wait3A_21 = tpu.memref_slice %arg2[%dma_wait3A_19, %dma_wait3A_20] : memref<10000x32xf32, #tpu.memory_space<hbm>> -> memref<10000x32xf32, #tpu.memory_space<hbm>>
    tpu.wait_indirect_dma semaphore(%arg11 : memref<!tpu.dma_semaphore, #tpu.memory_space<semaphore_mem>>) src(%dma_wait3A_21 : memref<10000x32xf32, #tpu.memory_space<hbm>>) dst(%arg9 : memref<80x32xf32, #tpu.memory_space<vmem>>)
    %run_scoped3A = arith.constant 124 : i32
    "tpu.region"() ({
      %run_scoped3A_27 = tpu.sem_alloc : memref<!tpu.dma_semaphore, #tpu.memory_space<semaphore_mem>>
      %dma_start3A_28 = arith.constant 0 : i32
      %dma_start3A_29 = tpu.memref_slice %arg8[%run_scoped3A, %dma_start3A_28] : memref<125x80xi32, #tpu.memory_space<vmem>> -> memref<1x80xi32, #tpu.memory_space<vmem>>
      %dma_start3A_30 = tpu.memref_squeeze %dma_start3A_29 : memref<1x80xi32, #tpu.memory_space<vmem>> -> memref<80xi32, #tpu.memory_space<vmem>>
      %dma_start3A_31 = arith.constant 0 : i32
      %dma_start3A_32 = arith.constant 0 : i32
      %dma_start3A_33 = tpu.memref_slice %arg13[%dma_start3A_31, %dma_start3A_32] : memref<10112x32xf32, #tpu.memory_space<vmem_shared>> -> memref<10112x32xf32, #tpu.memory_space<vmem_shared>>
      tpu.enqueue_indirect_dma source(%arg9 : memref<80x32xf32, #tpu.memory_space<vmem>>) target(%dma_start3A_33 : memref<10112x32xf32, #tpu.memory_space<vmem_shared>>) offsets(%dma_start3A_30 : memref<80xi32, #tpu.memory_space<vmem>>) semaphore(%run_scoped3A_27 : memref<!tpu.dma_semaphore, #tpu.memory_space<semaphore_mem>>) {add = true}
      %dma_wait3A_34 = arith.constant 0 : i32
      %dma_wait3A_35 = tpu.memref_slice %arg8[%run_scoped3A, %dma_wait3A_34] : memref<125x80xi32, #tpu.memory_space<vmem>> -> memref<1x80xi32, #tpu.memory_space<vmem>>
      %dma_wait3A_36 = tpu.memref_squeeze %dma_wait3A_35 : memref<1x80xi32, #tpu.memory_space<vmem>> -> memref<80xi32, #tpu.memory_space<vmem>>
      %dma_wait3A_37 = arith.constant 0 : i32
      %dma_wait3A_38 = arith.constant 0 : i32
      %dma_wait3A_39 = tpu.memref_slice %arg13[%dma_wait3A_37, %dma_wait3A_38] : memref<10112x32xf32, #tpu.memory_space<vmem_shared>> -> memref<10112x32xf32, #tpu.memory_space<vmem_shared>>
      tpu.wait_indirect_dma semaphore(%run_scoped3A_27 : memref<!tpu.dma_semaphore, #tpu.memory_space<semaphore_mem>>) src(%arg9 : memref<80x32xf32, #tpu.memory_space<vmem>>) dst(%dma_wait3A_39 : memref<10112x32xf32, #tpu.memory_space<vmem_shared>>)
      tpu.yield
    }) : () -> ()
    %barrier3A_22 = arith.constant 0 : index
    tpu.barrier barrier_id(%barrier3A_22)
    %mul3A_23 = arith.constant 632 : i32
    %mul3A_24 = arith.muli %arg1, %mul3A_23 : i32
    %mul3A_25 = arith.constant 632 : i32
    %mul3A_26 = arith.muli %arg1, %mul3A_25 : i32
    "tpu.region"() ({
      %run_scoped3A_27 = tpu.sem_alloc : memref<!tpu.dma_semaphore, #tpu.memory_space<semaphore_mem>>
      %dma_start3A_28 = arith.constant 0 : i32
      %dma_start3A_29 = tpu.memref_slice %arg6[%arg0, %mul3A_26, %dma_start3A_28] : memref<2x10112x32xf32, #tpu.memory_space<hbm>> -> memref<1x632x32xf32, #tpu.memory_space<hbm>>
      %dma_start3A_30 = tpu.memref_squeeze %dma_start3A_29 : memref<1x632x32xf32, #tpu.memory_space<hbm>> -> memref<632x32xf32, #tpu.memory_space<hbm>>
      %dma_start3A_31 = arith.constant 0 : i32
      %dma_start3A_32 = tpu.memref_slice %arg13[%mul3A_24, %dma_start3A_31] : memref<10112x32xf32, #tpu.memory_space<vmem_shared>> -> memref<632x32xf32, #tpu.memory_space<vmem_shared>>
      tpu.enqueue_dma source(%dma_start3A_32 : memref<632x32xf32, #tpu.memory_space<vmem_shared>>) target(%dma_start3A_30 : memref<632x32xf32, #tpu.memory_space<hbm>>) target_semaphore(%run_scoped3A_27 : memref<!tpu.dma_semaphore, #tpu.memory_space<semaphore_mem>>)
      %dma_wait3A_33 = arith.constant 0 : i32
      %dma_wait3A_34 = tpu.memref_slice %arg6[%arg0, %mul3A_26, %dma_wait3A_33] : memref<2x10112x32xf32, #tpu.memory_space<hbm>> -> memref<1x632x32xf32, #tpu.memory_space<hbm>>
      %dma_wait3A_35 = tpu.memref_squeeze %dma_wait3A_34 : memref<1x632x32xf32, #tpu.memory_space<hbm>> -> memref<632x32xf32, #tpu.memory_space<hbm>>
      %dma_wait3A_36 = arith.constant 0 : i32
      %dma_wait3A_37 = tpu.memref_slice %arg13[%mul3A_24, %dma_wait3A_36] : memref<10112x32xf32, #tpu.memory_space<vmem_shared>> -> memref<632x32xf32, #tpu.memory_space<vmem_shared>>
      tpu.wait_dma2 semaphore(%run_scoped3A_27 : memref<!tpu.dma_semaphore, #tpu.memory_space<semaphore_mem>>) src(%dma_wait3A_37 : memref<632x32xf32, #tpu.memory_space<vmem_shared>>) dst(%dma_wait3A_35 : memref<632x32xf32, #tpu.memory_space<hbm>>)
      tpu.yield
    }) : () -> ()
    return
  }
}

#map = affine_map<(d0, d1) -> (0, 0)>
#map1 = affine_map<(d0, d1) -> (0, 0, 0)>
module attributes {stable_mosaic.version = 14 : i64} {
  func.func @body(%arg0: i32, %arg1: i32, %arg2: memref<10000x128xf32, #tpu.memory_space<hbm>>, %arg3: memref<32x125x80xi32, #tpu.memory_space<hbm>>, %arg4: memref<32x125x80xi32, #tpu.memory_space<hbm>>, %arg5: memref<10112x128xf32, #tpu.memory_space<hbm>>, %arg6: memref<2x10112x128xf32, #tpu.memory_space<hbm>>, %arg7: memref<125x80xi32, #tpu.memory_space<vmem>>, %arg8: memref<125x80xi32, #tpu.memory_space<vmem>>, %arg9: memref<80x128xf32, #tpu.memory_space<vmem>>, %arg10: memref<80x128xf32, #tpu.memory_space<vmem>>, %arg11: memref<!tpu.dma_semaphore, #tpu.memory_space<semaphore_mem>>, %arg12: memref<!tpu.dma_semaphore, #tpu.memory_space<semaphore_mem>>, %arg13: memref<10112x128xf32, #tpu.memory_space<vmem_shared>>) attributes {dimension_semantics = [#tpu.dimension_semantics<core_parallel>, #tpu.dimension_semantics<subcore_parallel>], iteration_bounds = array<i64: 2, 16>, scalar_prefetch = 0 : i64, scratch_operands = 7 : i64, tpu.core_type = #tpu.core_type<sc_vector_subcore>, window_params = [{transform_indices = #map}, {transform_indices = #map1}, {transform_indices = #map1}, {transform_indices = #map}, {transform_indices = #map1}]} {
    %mul3A = arith.constant 16 : i32
    %mul3A_0 = arith.muli %arg0, %mul3A : i32
    %add3A = arith.addi %mul3A_0, %arg1 : i32
    %mul3A_1 = arith.constant 632 : i32
    %mul3A_2 = arith.muli %arg1, %mul3A_1 : i32
    %mul3A_3 = arith.constant 632 : i32
    %mul3A_4 = arith.muli %arg1, %mul3A_3 : i32
    "tpu.region"() ({
      %run_scoped3A_27 = tpu.sem_alloc : memref<!tpu.dma_semaphore, #tpu.memory_space<semaphore_mem>>
      %dma_start3A_28 = arith.constant 0 : i32
      %dma_start3A_29 = tpu.memref_slice %arg13[%mul3A_4, %dma_start3A_28] : memref<10112x128xf32, #tpu.memory_space<vmem_shared>> -> memref<632x128xf32, #tpu.memory_space<vmem_shared>>
      %dma_start3A_30 = arith.constant 0 : i32
      %dma_start3A_31 = tpu.memref_slice %arg5[%mul3A_2, %dma_start3A_30] : memref<10112x128xf32, #tpu.memory_space<hbm>> -> memref<632x128xf32, #tpu.memory_space<hbm>>
      tpu.enqueue_dma source(%dma_start3A_31 : memref<632x128xf32, #tpu.memory_space<hbm>>) target(%dma_start3A_29 : memref<632x128xf32, #tpu.memory_space<vmem_shared>>) target_semaphore(%run_scoped3A_27 : memref<!tpu.dma_semaphore, #tpu.memory_space<semaphore_mem>>)
      %dma_wait3A_32 = arith.constant 0 : i32
      %dma_wait3A_33 = tpu.memref_slice %arg13[%mul3A_4, %dma_wait3A_32] : memref<10112x128xf32, #tpu.memory_space<vmem_shared>> -> memref<632x128xf32, #tpu.memory_space<vmem_shared>>
      %dma_wait3A_34 = arith.constant 0 : i32
      %dma_wait3A_35 = tpu.memref_slice %arg5[%mul3A_2, %dma_wait3A_34] : memref<10112x128xf32, #tpu.memory_space<hbm>> -> memref<632x128xf32, #tpu.memory_space<hbm>>
      tpu.wait_dma2 semaphore(%run_scoped3A_27 : memref<!tpu.dma_semaphore, #tpu.memory_space<semaphore_mem>>) src(%dma_wait3A_35 : memref<632x128xf32, #tpu.memory_space<hbm>>) dst(%dma_wait3A_33 : memref<632x128xf32, #tpu.memory_space<vmem_shared>>)
      tpu.yield
    }) : () -> ()
    "tpu.region"() ({
      %run_scoped3A_27 = tpu.sem_alloc : memref<!tpu.dma_semaphore, #tpu.memory_space<semaphore_mem>>
      %dma_start3A_28 = arith.constant 0 : i32
      %dma_start3A_29 = arith.constant 0 : i32
      %dma_start3A_30 = tpu.memref_slice %arg3[%add3A, %dma_start3A_28, %dma_start3A_29] : memref<32x125x80xi32, #tpu.memory_space<hbm>> -> memref<1x125x80xi32, #tpu.memory_space<hbm>>
      %dma_start3A_31 = tpu.memref_squeeze %dma_start3A_30 : memref<1x125x80xi32, #tpu.memory_space<hbm>> -> memref<125x80xi32, #tpu.memory_space<hbm>>
      %dma_start3A_32 = arith.constant 0 : i32
      %dma_start3A_33 = arith.constant 0 : i32
      %dma_start3A_34 = tpu.memref_slice %arg3[%add3A, %dma_start3A_32, %dma_start3A_33] : memref<32x125x80xi32, #tpu.memory_space<hbm>> -> memref<1x125x80xi32, #tpu.memory_space<hbm>>
      %dma_start3A_35 = tpu.memref_squeeze %dma_start3A_34 : memref<1x125x80xi32, #tpu.memory_space<hbm>> -> memref<125x80xi32, #tpu.memory_space<hbm>>
      tpu.enqueue_dma source(%dma_start3A_35 : memref<125x80xi32, #tpu.memory_space<hbm>>) target(%arg7 : memref<125x80xi32, #tpu.memory_space<vmem>>) target_semaphore(%run_scoped3A_27 : memref<!tpu.dma_semaphore, #tpu.memory_space<semaphore_mem>>)
      %dma_wait3A_36 = arith.constant 0 : i32
      %dma_wait3A_37 = arith.constant 0 : i32
      %dma_wait3A_38 = tpu.memref_slice %arg3[%add3A, %dma_wait3A_36, %dma_wait3A_37] : memref<32x125x80xi32, #tpu.memory_space<hbm>> -> memref<1x125x80xi32, #tpu.memory_space<hbm>>
      %dma_wait3A_39 = tpu.memref_squeeze %dma_wait3A_38 : memref<1x125x80xi32, #tpu.memory_space<hbm>> -> memref<125x80xi32, #tpu.memory_space<hbm>>
      %dma_wait3A_40 = arith.constant 0 : i32
      %dma_wait3A_41 = arith.constant 0 : i32
      %dma_wait3A_42 = tpu.memref_slice %arg3[%add3A, %dma_wait3A_40, %dma_wait3A_41] : memref<32x125x80xi32, #tpu.memory_space<hbm>> -> memref<1x125x80xi32, #tpu.memory_space<hbm>>
      %dma_wait3A_43 = tpu.memref_squeeze %dma_wait3A_42 : memref<1x125x80xi32, #tpu.memory_space<hbm>> -> memref<125x80xi32, #tpu.memory_space<hbm>>
      tpu.wait_dma2 semaphore(%run_scoped3A_27 : memref<!tpu.dma_semaphore, #tpu.memory_space<semaphore_mem>>) src(%dma_wait3A_43 : memref<125x80xi32, #tpu.memory_space<hbm>>) dst(%arg7 : memref<125x80xi32, #tpu.memory_space<vmem>>)
      tpu.yield
    }) : () -> ()
    "tpu.region"() ({
      %run_scoped3A_27 = tpu.sem_alloc : memref<!tpu.dma_semaphore, #tpu.memory_space<semaphore_mem>>
      %dma_start3A_28 = arith.constant 0 : i32
      %dma_start3A_29 = arith.constant 0 : i32
      %dma_start3A_30 = tpu.memref_slice %arg4[%add3A, %dma_start3A_28, %dma_start3A_29] : memref<32x125x80xi32, #tpu.memory_space<hbm>> -> memref<1x125x80xi32, #tpu.memory_space<hbm>>
      %dma_start3A_31 = tpu.memref_squeeze %dma_start3A_30 : memref<1x125x80xi32, #tpu.memory_space<hbm>> -> memref<125x80xi32, #tpu.memory_space<hbm>>
      %dma_start3A_32 = arith.constant 0 : i32
      %dma_start3A_33 = arith.constant 0 : i32
      %dma_start3A_34 = tpu.memref_slice %arg4[%add3A, %dma_start3A_32, %dma_start3A_33] : memref<32x125x80xi32, #tpu.memory_space<hbm>> -> memref<1x125x80xi32, #tpu.memory_space<hbm>>
      %dma_start3A_35 = tpu.memref_squeeze %dma_start3A_34 : memref<1x125x80xi32, #tpu.memory_space<hbm>> -> memref<125x80xi32, #tpu.memory_space<hbm>>
      tpu.enqueue_dma source(%dma_start3A_35 : memref<125x80xi32, #tpu.memory_space<hbm>>) target(%arg8 : memref<125x80xi32, #tpu.memory_space<vmem>>) target_semaphore(%run_scoped3A_27 : memref<!tpu.dma_semaphore, #tpu.memory_space<semaphore_mem>>)
      %dma_wait3A_36 = arith.constant 0 : i32
      %dma_wait3A_37 = arith.constant 0 : i32
      %dma_wait3A_38 = tpu.memref_slice %arg4[%add3A, %dma_wait3A_36, %dma_wait3A_37] : memref<32x125x80xi32, #tpu.memory_space<hbm>> -> memref<1x125x80xi32, #tpu.memory_space<hbm>>
      %dma_wait3A_39 = tpu.memref_squeeze %dma_wait3A_38 : memref<1x125x80xi32, #tpu.memory_space<hbm>> -> memref<125x80xi32, #tpu.memory_space<hbm>>
      %dma_wait3A_40 = arith.constant 0 : i32
      %dma_wait3A_41 = arith.constant 0 : i32
      %dma_wait3A_42 = tpu.memref_slice %arg4[%add3A, %dma_wait3A_40, %dma_wait3A_41] : memref<32x125x80xi32, #tpu.memory_space<hbm>> -> memref<1x125x80xi32, #tpu.memory_space<hbm>>
      %dma_wait3A_43 = tpu.memref_squeeze %dma_wait3A_42 : memref<1x125x80xi32, #tpu.memory_space<hbm>> -> memref<125x80xi32, #tpu.memory_space<hbm>>
      tpu.wait_dma2 semaphore(%run_scoped3A_27 : memref<!tpu.dma_semaphore, #tpu.memory_space<semaphore_mem>>) src(%dma_wait3A_43 : memref<125x80xi32, #tpu.memory_space<hbm>>) dst(%arg8 : memref<125x80xi32, #tpu.memory_space<vmem>>)
      tpu.yield
    }) : () -> ()
    %barrier3A = arith.constant 0 : index
    tpu.barrier barrier_id(%barrier3A)
    %dma_start3A = arith.constant 0 : i32
    %dma_start3A_5 = arith.constant 0 : i32
    %dma_start3A_6 = tpu.memref_slice %arg7[%dma_start3A, %dma_start3A_5] : memref<125x80xi32, #tpu.memory_space<vmem>> -> memref<1x80xi32, #tpu.memory_space<vmem>>
    %dma_start3A_7 = tpu.memref_squeeze %dma_start3A_6 : memref<1x80xi32, #tpu.memory_space<vmem>> -> memref<80xi32, #tpu.memory_space<vmem>>
    %dma_start3A_8 = arith.constant 0 : i32
    %dma_start3A_9 = arith.constant 0 : i32
    %dma_start3A_10 = tpu.memref_slice %arg2[%dma_start3A_8, %dma_start3A_9] : memref<10000x128xf32, #tpu.memory_space<hbm>> -> memref<10000x128xf32, #tpu.memory_space<hbm>>
    tpu.enqueue_indirect_dma source(%dma_start3A_10 : memref<10000x128xf32, #tpu.memory_space<hbm>>) target(%arg9 : memref<80x128xf32, #tpu.memory_space<vmem>>) offsets(%dma_start3A_7 : memref<80xi32, #tpu.memory_space<vmem>>) semaphore(%arg11 : memref<!tpu.dma_semaphore, #tpu.memory_space<semaphore_mem>>)
    %scan3A = arith.constant 0 : i32
    %scan3A_11 = arith.constant 0 : i32
    %scan3A_12 = arith.constant 62 : i32
    %scan3A_13 = arith.addi %scan3A_11, %scan3A_12 : i32
    %scan3A_14 = arith.constant 1 : i32
    scf.for %scan3A_27 = %scan3A_11 to %scan3A_13 step %scan3A_14  : i32 {
      %mul3A_28 = arith.constant 2 : i32
      %mul3A_29 = arith.muli %mul3A_28, %scan3A_27 : i32
      %add3A_30 = arith.constant 1 : i32
      %add3A_31 = arith.addi %mul3A_29, %add3A_30 : i32
      %dma_start3A_32 = arith.constant 0 : i32
      %dma_start3A_33 = tpu.memref_slice %arg7[%add3A_31, %dma_start3A_32] : memref<125x80xi32, #tpu.memory_space<vmem>> -> memref<1x80xi32, #tpu.memory_space<vmem>>
      %dma_start3A_34 = tpu.memref_squeeze %dma_start3A_33 : memref<1x80xi32, #tpu.memory_space<vmem>> -> memref<80xi32, #tpu.memory_space<vmem>>
      %dma_start3A_35 = arith.constant 0 : i32
      %dma_start3A_36 = arith.constant 0 : i32
      %dma_start3A_37 = tpu.memref_slice %arg2[%dma_start3A_35, %dma_start3A_36] : memref<10000x128xf32, #tpu.memory_space<hbm>> -> memref<10000x128xf32, #tpu.memory_space<hbm>>
      tpu.enqueue_indirect_dma source(%dma_start3A_37 : memref<10000x128xf32, #tpu.memory_space<hbm>>) target(%arg10 : memref<80x128xf32, #tpu.memory_space<vmem>>) offsets(%dma_start3A_34 : memref<80xi32, #tpu.memory_space<vmem>>) semaphore(%arg12 : memref<!tpu.dma_semaphore, #tpu.memory_space<semaphore_mem>>)
      %dma_wait3A_38 = arith.constant 0 : i32
      %dma_wait3A_39 = tpu.memref_slice %arg7[%mul3A_29, %dma_wait3A_38] : memref<125x80xi32, #tpu.memory_space<vmem>> -> memref<1x80xi32, #tpu.memory_space<vmem>>
      %dma_wait3A_40 = tpu.memref_squeeze %dma_wait3A_39 : memref<1x80xi32, #tpu.memory_space<vmem>> -> memref<80xi32, #tpu.memory_space<vmem>>
      %dma_wait3A_41 = arith.constant 0 : i32
      %dma_wait3A_42 = arith.constant 0 : i32
      %dma_wait3A_43 = tpu.memref_slice %arg2[%dma_wait3A_41, %dma_wait3A_42] : memref<10000x128xf32, #tpu.memory_space<hbm>> -> memref<10000x128xf32, #tpu.memory_space<hbm>>
      tpu.wait_indirect_dma semaphore(%arg11 : memref<!tpu.dma_semaphore, #tpu.memory_space<semaphore_mem>>) src(%dma_wait3A_43 : memref<10000x128xf32, #tpu.memory_space<hbm>>) dst(%arg9 : memref<80x128xf32, #tpu.memory_space<vmem>>)
      "tpu.region"() ({
        %run_scoped3A_62 = tpu.sem_alloc : memref<!tpu.dma_semaphore, #tpu.memory_space<semaphore_mem>>
        %dma_start3A_63 = arith.constant 0 : i32
        %dma_start3A_64 = tpu.memref_slice %arg8[%mul3A_29, %dma_start3A_63] : memref<125x80xi32, #tpu.memory_space<vmem>> -> memref<1x80xi32, #tpu.memory_space<vmem>>
        %dma_start3A_65 = tpu.memref_squeeze %dma_start3A_64 : memref<1x80xi32, #tpu.memory_space<vmem>> -> memref<80xi32, #tpu.memory_space<vmem>>
        %dma_start3A_66 = arith.constant 0 : i32
        %dma_start3A_67 = arith.constant 0 : i32
        %dma_start3A_68 = tpu.memref_slice %arg13[%dma_start3A_66, %dma_start3A_67] : memref<10112x128xf32, #tpu.memory_space<vmem_shared>> -> memref<10112x128xf32, #tpu.memory_space<vmem_shared>>
        tpu.enqueue_indirect_dma source(%arg9 : memref<80x128xf32, #tpu.memory_space<vmem>>) target(%dma_start3A_68 : memref<10112x128xf32, #tpu.memory_space<vmem_shared>>) offsets(%dma_start3A_65 : memref<80xi32, #tpu.memory_space<vmem>>) semaphore(%run_scoped3A_62 : memref<!tpu.dma_semaphore, #tpu.memory_space<semaphore_mem>>) {add = true}
        %dma_wait3A_69 = arith.constant 0 : i32
        %dma_wait3A_70 = tpu.memref_slice %arg8[%mul3A_29, %dma_wait3A_69] : memref<125x80xi32, #tpu.memory_space<vmem>> -> memref<1x80xi32, #tpu.memory_space<vmem>>
        %dma_wait3A_71 = tpu.memref_squeeze %dma_wait3A_70 : memref<1x80xi32, #tpu.memory_space<vmem>> -> memref<80xi32, #tpu.memory_space<vmem>>
        %dma_wait3A_72 = arith.constant 0 : i32
        %dma_wait3A_73 = arith.constant 0 : i32
        %dma_wait3A_74 = tpu.memref_slice %arg13[%dma_wait3A_72, %dma_wait3A_73] : memref<10112x128xf32, #tpu.memory_space<vmem_shared>> -> memref<10112x128xf32, #tpu.memory_space<vmem_shared>>
        tpu.wait_indirect_dma semaphore(%run_scoped3A_62 : memref<!tpu.dma_semaphore, #tpu.memory_space<semaphore_mem>>) src(%arg9 : memref<80x128xf32, #tpu.memory_space<vmem>>) dst(%dma_wait3A_74 : memref<10112x128xf32, #tpu.memory_space<vmem_shared>>)
        tpu.yield
      }) : () -> ()
      %add3A_44 = arith.constant 2 : i32
      %add3A_45 = arith.addi %mul3A_29, %add3A_44 : i32
      %dma_start3A_46 = arith.constant 0 : i32
      %dma_start3A_47 = tpu.memref_slice %arg7[%add3A_45, %dma_start3A_46] : memref<125x80xi32, #tpu.memory_space<vmem>> -> memref<1x80xi32, #tpu.memory_space<vmem>>
      %dma_start3A_48 = tpu.memref_squeeze %dma_start3A_47 : memref<1x80xi32, #tpu.memory_space<vmem>> -> memref<80xi32, #tpu.memory_space<vmem>>
      %dma_start3A_49 = arith.constant 0 : i32
      %dma_start3A_50 = arith.constant 0 : i32
      %dma_start3A_51 = tpu.memref_slice %arg2[%dma_start3A_49, %dma_start3A_50] : memref<10000x128xf32, #tpu.memory_space<hbm>> -> memref<10000x128xf32, #tpu.memory_space<hbm>>
      tpu.enqueue_indirect_dma source(%dma_start3A_51 : memref<10000x128xf32, #tpu.memory_space<hbm>>) target(%arg9 : memref<80x128xf32, #tpu.memory_space<vmem>>) offsets(%dma_start3A_48 : memref<80xi32, #tpu.memory_space<vmem>>) semaphore(%arg11 : memref<!tpu.dma_semaphore, #tpu.memory_space<semaphore_mem>>)
      %add3A_52 = arith.constant 1 : i32
      %add3A_53 = arith.addi %mul3A_29, %add3A_52 : i32
      %dma_wait3A_54 = arith.constant 0 : i32
      %dma_wait3A_55 = tpu.memref_slice %arg7[%add3A_53, %dma_wait3A_54] : memref<125x80xi32, #tpu.memory_space<vmem>> -> memref<1x80xi32, #tpu.memory_space<vmem>>
      %dma_wait3A_56 = tpu.memref_squeeze %dma_wait3A_55 : memref<1x80xi32, #tpu.memory_space<vmem>> -> memref<80xi32, #tpu.memory_space<vmem>>
      %dma_wait3A_57 = arith.constant 0 : i32
      %dma_wait3A_58 = arith.constant 0 : i32
      %dma_wait3A_59 = tpu.memref_slice %arg2[%dma_wait3A_57, %dma_wait3A_58] : memref<10000x128xf32, #tpu.memory_space<hbm>> -> memref<10000x128xf32, #tpu.memory_space<hbm>>
      tpu.wait_indirect_dma semaphore(%arg12 : memref<!tpu.dma_semaphore, #tpu.memory_space<semaphore_mem>>) src(%dma_wait3A_59 : memref<10000x128xf32, #tpu.memory_space<hbm>>) dst(%arg10 : memref<80x128xf32, #tpu.memory_space<vmem>>)
      %add3A_60 = arith.constant 1 : i32
      %add3A_61 = arith.addi %mul3A_29, %add3A_60 : i32
      "tpu.region"() ({
        %run_scoped3A_62 = tpu.sem_alloc : memref<!tpu.dma_semaphore, #tpu.memory_space<semaphore_mem>>
        %dma_start3A_63 = arith.constant 0 : i32
        %dma_start3A_64 = tpu.memref_slice %arg8[%add3A_61, %dma_start3A_63] : memref<125x80xi32, #tpu.memory_space<vmem>> -> memref<1x80xi32, #tpu.memory_space<vmem>>
        %dma_start3A_65 = tpu.memref_squeeze %dma_start3A_64 : memref<1x80xi32, #tpu.memory_space<vmem>> -> memref<80xi32, #tpu.memory_space<vmem>>
        %dma_start3A_66 = arith.constant 0 : i32
        %dma_start3A_67 = arith.constant 0 : i32
        %dma_start3A_68 = tpu.memref_slice %arg13[%dma_start3A_66, %dma_start3A_67] : memref<10112x128xf32, #tpu.memory_space<vmem_shared>> -> memref<10112x128xf32, #tpu.memory_space<vmem_shared>>
        tpu.enqueue_indirect_dma source(%arg10 : memref<80x128xf32, #tpu.memory_space<vmem>>) target(%dma_start3A_68 : memref<10112x128xf32, #tpu.memory_space<vmem_shared>>) offsets(%dma_start3A_65 : memref<80xi32, #tpu.memory_space<vmem>>) semaphore(%run_scoped3A_62 : memref<!tpu.dma_semaphore, #tpu.memory_space<semaphore_mem>>) {add = true}
        %dma_wait3A_69 = arith.constant 0 : i32
        %dma_wait3A_70 = tpu.memref_slice %arg8[%add3A_61, %dma_wait3A_69] : memref<125x80xi32, #tpu.memory_space<vmem>> -> memref<1x80xi32, #tpu.memory_space<vmem>>
        %dma_wait3A_71 = tpu.memref_squeeze %dma_wait3A_70 : memref<1x80xi32, #tpu.memory_space<vmem>> -> memref<80xi32, #tpu.memory_space<vmem>>
        %dma_wait3A_72 = arith.constant 0 : i32
        %dma_wait3A_73 = arith.constant 0 : i32
        %dma_wait3A_74 = tpu.memref_slice %arg13[%dma_wait3A_72, %dma_wait3A_73] : memref<10112x128xf32, #tpu.memory_space<vmem_shared>> -> memref<10112x128xf32, #tpu.memory_space<vmem_shared>>
        tpu.wait_indirect_dma semaphore(%run_scoped3A_62 : memref<!tpu.dma_semaphore, #tpu.memory_space<semaphore_mem>>) src(%arg10 : memref<80x128xf32, #tpu.memory_space<vmem>>) dst(%dma_wait3A_74 : memref<10112x128xf32, #tpu.memory_space<vmem_shared>>)
        tpu.yield
      }) : () -> ()
    }
    %scan3A_15 = arith.constant 62 : i32
    %dma_wait3A = arith.constant 124 : i32
    %dma_wait3A_16 = arith.constant 0 : i32
    %dma_wait3A_17 = tpu.memref_slice %arg7[%dma_wait3A, %dma_wait3A_16] : memref<125x80xi32, #tpu.memory_space<vmem>> -> memref<1x80xi32, #tpu.memory_space<vmem>>
    %dma_wait3A_18 = tpu.memref_squeeze %dma_wait3A_17 : memref<1x80xi32, #tpu.memory_space<vmem>> -> memref<80xi32, #tpu.memory_space<vmem>>
    %dma_wait3A_19 = arith.constant 0 : i32
    %dma_wait3A_20 = arith.constant 0 : i32
    %dma_wait3A_21 = tpu.memref_slice %arg2[%dma_wait3A_19, %dma_wait3A_20] : memref<10000x128xf32, #tpu.memory_space<hbm>> -> memref<10000x128xf32, #tpu.memory_space<hbm>>
    tpu.wait_indirect_dma semaphore(%arg11 : memref<!tpu.dma_semaphore, #tpu.memory_space<semaphore_mem>>) src(%dma_wait3A_21 : memref<10000x128xf32, #tpu.memory_space<hbm>>) dst(%arg9 : memref<80x128xf32, #tpu.memory_space<vmem>>)
    %run_scoped3A = arith.constant 124 : i32
    "tpu.region"() ({
      %run_scoped3A_27 = tpu.sem_alloc : memref<!tpu.dma_semaphore, #tpu.memory_space<semaphore_mem>>
      %dma_start3A_28 = arith.constant 0 : i32
      %dma_start3A_29 = tpu.memref_slice %arg8[%run_scoped3A, %dma_start3A_28] : memref<125x80xi32, #tpu.memory_space<vmem>> -> memref<1x80xi32, #tpu.memory_space<vmem>>
      %dma_start3A_30 = tpu.memref_squeeze %dma_start3A_29 : memref<1x80xi32, #tpu.memory_space<vmem>> -> memref<80xi32, #tpu.memory_space<vmem>>
      %dma_start3A_31 = arith.constant 0 : i32
      %dma_start3A_32 = arith.constant 0 : i32
      %dma_start3A_33 = tpu.memref_slice %arg13[%dma_start3A_31, %dma_start3A_32] : memref<10112x128xf32, #tpu.memory_space<vmem_shared>> -> memref<10112x128xf32, #tpu.memory_space<vmem_shared>>
      tpu.enqueue_indirect_dma source(%arg9 : memref<80x128xf32, #tpu.memory_space<vmem>>) target(%dma_start3A_33 : memref<10112x128xf32, #tpu.memory_space<vmem_shared>>) offsets(%dma_start3A_30 : memref<80xi32, #tpu.memory_space<vmem>>) semaphore(%run_scoped3A_27 : memref<!tpu.dma_semaphore, #tpu.memory_space<semaphore_mem>>) {add = true}
      %dma_wait3A_34 = arith.constant 0 : i32
      %dma_wait3A_35 = tpu.memref_slice %arg8[%run_scoped3A, %dma_wait3A_34] : memref<125x80xi32, #tpu.memory_space<vmem>> -> memref<1x80xi32, #tpu.memory_space<vmem>>
      %dma_wait3A_36 = tpu.memref_squeeze %dma_wait3A_35 : memref<1x80xi32, #tpu.memory_space<vmem>> -> memref<80xi32, #tpu.memory_space<vmem>>
      %dma_wait3A_37 = arith.constant 0 : i32
      %dma_wait3A_38 = arith.constant 0 : i32
      %dma_wait3A_39 = tpu.memref_slice %arg13[%dma_wait3A_37, %dma_wait3A_38] : memref<10112x128xf32, #tpu.memory_space<vmem_shared>> -> memref<10112x128xf32, #tpu.memory_space<vmem_shared>>
      tpu.wait_indirect_dma semaphore(%run_scoped3A_27 : memref<!tpu.dma_semaphore, #tpu.memory_space<semaphore_mem>>) src(%arg9 : memref<80x128xf32, #tpu.memory_space<vmem>>) dst(%dma_wait3A_39 : memref<10112x128xf32, #tpu.memory_space<vmem_shared>>)
      tpu.yield
    }) : () -> ()
    %barrier3A_22 = arith.constant 0 : index
    tpu.barrier barrier_id(%barrier3A_22)
    %mul3A_23 = arith.constant 632 : i32
    %mul3A_24 = arith.muli %arg1, %mul3A_23 : i32
    %mul3A_25 = arith.constant 632 : i32
    %mul3A_26 = arith.muli %arg1, %mul3A_25 : i32
    "tpu.region"() ({
      %run_scoped3A_27 = tpu.sem_alloc : memref<!tpu.dma_semaphore, #tpu.memory_space<semaphore_mem>>
      %dma_start3A_28 = arith.constant 0 : i32
      %dma_start3A_29 = tpu.memref_slice %arg6[%arg0, %mul3A_26, %dma_start3A_28] : memref<2x10112x128xf32, #tpu.memory_space<hbm>> -> memref<1x632x128xf32, #tpu.memory_space<hbm>>
      %dma_start3A_30 = tpu.memref_squeeze %dma_start3A_29 : memref<1x632x128xf32, #tpu.memory_space<hbm>> -> memref<632x128xf32, #tpu.memory_space<hbm>>
      %dma_start3A_31 = arith.constant 0 : i32
      %dma_start3A_32 = tpu.memref_slice %arg13[%mul3A_24, %dma_start3A_31] : memref<10112x128xf32, #tpu.memory_space<vmem_shared>> -> memref<632x128xf32, #tpu.memory_space<vmem_shared>>
      tpu.enqueue_dma source(%dma_start3A_32 : memref<632x128xf32, #tpu.memory_space<vmem_shared>>) target(%dma_start3A_30 : memref<632x128xf32, #tpu.memory_space<hbm>>) target_semaphore(%run_scoped3A_27 : memref<!tpu.dma_semaphore, #tpu.memory_space<semaphore_mem>>)
      %dma_wait3A_33 = arith.constant 0 : i32
      %dma_wait3A_34 = tpu.memref_slice %arg6[%arg0, %mul3A_26, %dma_wait3A_33] : memref<2x10112x128xf32, #tpu.memory_space<hbm>> -> memref<1x632x128xf32, #tpu.memory_space<hbm>>
      %dma_wait3A_35 = tpu.memref_squeeze %dma_wait3A_34 : memref<1x632x128xf32, #tpu.memory_space<hbm>> -> memref<632x128xf32, #tpu.memory_space<hbm>>
      %dma_wait3A_36 = arith.constant 0 : i32
      %dma_wait3A_37 = tpu.memref_slice %arg13[%mul3A_24, %dma_wait3A_36] : memref<10112x128xf32, #tpu.memory_space<vmem_shared>> -> memref<632x128xf32, #tpu.memory_space<vmem_shared>>
      tpu.wait_dma2 semaphore(%run_scoped3A_27 : memref<!tpu.dma_semaphore, #tpu.memory_space<semaphore_mem>>) src(%dma_wait3A_37 : memref<632x128xf32, #tpu.memory_space<vmem_shared>>) dst(%dma_wait3A_35 : memref<632x128xf32, #tpu.memory_space<hbm>>)
      tpu.yield
    }) : () -> ()
    return
  }
}

#map = affine_map<(d0, d1) -> (0, 0)>
#map1 = affine_map<(d0, d1) -> (0, 0, 0)>
module attributes {stable_mosaic.version = 14 : i64} {
  func.func @body(%arg0: i32, %arg1: i32, %arg2: memref<10000x32xf32, #tpu.memory_space<hbm>>, %arg3: memref<32x125x80xi32, #tpu.memory_space<hbm>>, %arg4: memref<32x125x80xi32, #tpu.memory_space<hbm>>, %arg5: memref<10112x32xf32, #tpu.memory_space<hbm>>, %arg6: memref<2x10112x32xf32, #tpu.memory_space<hbm>>, %arg7: memref<125x80xi32, #tpu.memory_space<vmem>>, %arg8: memref<125x80xi32, #tpu.memory_space<vmem>>, %arg9: memref<80x32xf32, #tpu.memory_space<vmem>>, %arg10: memref<80x32xf32, #tpu.memory_space<vmem>>, %arg11: memref<!tpu.dma_semaphore, #tpu.memory_space<semaphore_mem>>, %arg12: memref<!tpu.dma_semaphore, #tpu.memory_space<semaphore_mem>>, %arg13: memref<10112x32xf32, #tpu.memory_space<vmem_shared>>) attributes {dimension_semantics = [#tpu.dimension_semantics<core_parallel>, #tpu.dimension_semantics<subcore_parallel>], iteration_bounds = array<i64: 2, 16>, scalar_prefetch = 0 : i64, scratch_operands = 7 : i64, tpu.core_type = #tpu.core_type<sc_vector_subcore>, window_params = [{transform_indices = #map}, {transform_indices = #map1}, {transform_indices = #map1}, {transform_indices = #map}, {transform_indices = #map1}]} {
    %mul3A = arith.constant 16 : i32
    %mul3A_0 = arith.muli %arg0, %mul3A : i32
    %add3A = arith.addi %mul3A_0, %arg1 : i32
    %mul3A_1 = arith.constant 632 : i32
    %mul3A_2 = arith.muli %arg1, %mul3A_1 : i32
    %mul3A_3 = arith.constant 632 : i32
    %mul3A_4 = arith.muli %arg1, %mul3A_3 : i32
    "tpu.region"() ({
      %run_scoped3A_27 = tpu.sem_alloc : memref<!tpu.dma_semaphore, #tpu.memory_space<semaphore_mem>>
      %dma_start3A_28 = arith.constant 0 : i32
      %dma_start3A_29 = tpu.memref_slice %arg13[%mul3A_4, %dma_start3A_28] : memref<10112x32xf32, #tpu.memory_space<vmem_shared>> -> memref<632x32xf32, #tpu.memory_space<vmem_shared>>
      %dma_start3A_30 = arith.constant 0 : i32
      %dma_start3A_31 = tpu.memref_slice %arg5[%mul3A_2, %dma_start3A_30] : memref<10112x32xf32, #tpu.memory_space<hbm>> -> memref<632x32xf32, #tpu.memory_space<hbm>>
      tpu.enqueue_dma source(%dma_start3A_31 : memref<632x32xf32, #tpu.memory_space<hbm>>) target(%dma_start3A_29 : memref<632x32xf32, #tpu.memory_space<vmem_shared>>) target_semaphore(%run_scoped3A_27 : memref<!tpu.dma_semaphore, #tpu.memory_space<semaphore_mem>>)
      %dma_wait3A_32 = arith.constant 0 : i32
      %dma_wait3A_33 = tpu.memref_slice %arg13[%mul3A_4, %dma_wait3A_32] : memref<10112x32xf32, #tpu.memory_space<vmem_shared>> -> memref<632x32xf32, #tpu.memory_space<vmem_shared>>
      %dma_wait3A_34 = arith.constant 0 : i32
      %dma_wait3A_35 = tpu.memref_slice %arg5[%mul3A_2, %dma_wait3A_34] : memref<10112x32xf32, #tpu.memory_space<hbm>> -> memref<632x32xf32, #tpu.memory_space<hbm>>
      tpu.wait_dma2 semaphore(%run_scoped3A_27 : memref<!tpu.dma_semaphore, #tpu.memory_space<semaphore_mem>>) src(%dma_wait3A_35 : memref<632x32xf32, #tpu.memory_space<hbm>>) dst(%dma_wait3A_33 : memref<632x32xf32, #tpu.memory_space<vmem_shared>>)
      tpu.yield
    }) : () -> ()
    "tpu.region"() ({
      %run_scoped3A_27 = tpu.sem_alloc : memref<!tpu.dma_semaphore, #tpu.memory_space<semaphore_mem>>
      %dma_start3A_28 = arith.constant 0 : i32
      %dma_start3A_29 = arith.constant 0 : i32
      %dma_start3A_30 = tpu.memref_slice %arg3[%add3A, %dma_start3A_28, %dma_start3A_29] : memref<32x125x80xi32, #tpu.memory_space<hbm>> -> memref<1x125x80xi32, #tpu.memory_space<hbm>>
      %dma_start3A_31 = tpu.memref_squeeze %dma_start3A_30 : memref<1x125x80xi32, #tpu.memory_space<hbm>> -> memref<125x80xi32, #tpu.memory_space<hbm>>
      %dma_start3A_32 = arith.constant 0 : i32
      %dma_start3A_33 = arith.constant 0 : i32
      %dma_start3A_34 = tpu.memref_slice %arg3[%add3A, %dma_start3A_32, %dma_start3A_33] : memref<32x125x80xi32, #tpu.memory_space<hbm>> -> memref<1x125x80xi32, #tpu.memory_space<hbm>>
      %dma_start3A_35 = tpu.memref_squeeze %dma_start3A_34 : memref<1x125x80xi32, #tpu.memory_space<hbm>> -> memref<125x80xi32, #tpu.memory_space<hbm>>
      tpu.enqueue_dma source(%dma_start3A_35 : memref<125x80xi32, #tpu.memory_space<hbm>>) target(%arg7 : memref<125x80xi32, #tpu.memory_space<vmem>>) target_semaphore(%run_scoped3A_27 : memref<!tpu.dma_semaphore, #tpu.memory_space<semaphore_mem>>)
      %dma_wait3A_36 = arith.constant 0 : i32
      %dma_wait3A_37 = arith.constant 0 : i32
      %dma_wait3A_38 = tpu.memref_slice %arg3[%add3A, %dma_wait3A_36, %dma_wait3A_37] : memref<32x125x80xi32, #tpu.memory_space<hbm>> -> memref<1x125x80xi32, #tpu.memory_space<hbm>>
      %dma_wait3A_39 = tpu.memref_squeeze %dma_wait3A_38 : memref<1x125x80xi32, #tpu.memory_space<hbm>> -> memref<125x80xi32, #tpu.memory_space<hbm>>
      %dma_wait3A_40 = arith.constant 0 : i32
      %dma_wait3A_41 = arith.constant 0 : i32
      %dma_wait3A_42 = tpu.memref_slice %arg3[%add3A, %dma_wait3A_40, %dma_wait3A_41] : memref<32x125x80xi32, #tpu.memory_space<hbm>> -> memref<1x125x80xi32, #tpu.memory_space<hbm>>
      %dma_wait3A_43 = tpu.memref_squeeze %dma_wait3A_42 : memref<1x125x80xi32, #tpu.memory_space<hbm>> -> memref<125x80xi32, #tpu.memory_space<hbm>>
      tpu.wait_dma2 semaphore(%run_scoped3A_27 : memref<!tpu.dma_semaphore, #tpu.memory_space<semaphore_mem>>) src(%dma_wait3A_43 : memref<125x80xi32, #tpu.memory_space<hbm>>) dst(%arg7 : memref<125x80xi32, #tpu.memory_space<vmem>>)
      tpu.yield
    }) : () -> ()
    "tpu.region"() ({
      %run_scoped3A_27 = tpu.sem_alloc : memref<!tpu.dma_semaphore, #tpu.memory_space<semaphore_mem>>
      %dma_start3A_28 = arith.constant 0 : i32
      %dma_start3A_29 = arith.constant 0 : i32
      %dma_start3A_30 = tpu.memref_slice %arg4[%add3A, %dma_start3A_28, %dma_start3A_29] : memref<32x125x80xi32, #tpu.memory_space<hbm>> -> memref<1x125x80xi32, #tpu.memory_space<hbm>>
      %dma_start3A_31 = tpu.memref_squeeze %dma_start3A_30 : memref<1x125x80xi32, #tpu.memory_space<hbm>> -> memref<125x80xi32, #tpu.memory_space<hbm>>
      %dma_start3A_32 = arith.constant 0 : i32
      %dma_start3A_33 = arith.constant 0 : i32
      %dma_start3A_34 = tpu.memref_slice %arg4[%add3A, %dma_start3A_32, %dma_start3A_33] : memref<32x125x80xi32, #tpu.memory_space<hbm>> -> memref<1x125x80xi32, #tpu.memory_space<hbm>>
      %dma_start3A_35 = tpu.memref_squeeze %dma_start3A_34 : memref<1x125x80xi32, #tpu.memory_space<hbm>> -> memref<125x80xi32, #tpu.memory_space<hbm>>
      tpu.enqueue_dma source(%dma_start3A_35 : memref<125x80xi32, #tpu.memory_space<hbm>>) target(%arg8 : memref<125x80xi32, #tpu.memory_space<vmem>>) target_semaphore(%run_scoped3A_27 : memref<!tpu.dma_semaphore, #tpu.memory_space<semaphore_mem>>)
      %dma_wait3A_36 = arith.constant 0 : i32
      %dma_wait3A_37 = arith.constant 0 : i32
      %dma_wait3A_38 = tpu.memref_slice %arg4[%add3A, %dma_wait3A_36, %dma_wait3A_37] : memref<32x125x80xi32, #tpu.memory_space<hbm>> -> memref<1x125x80xi32, #tpu.memory_space<hbm>>
      %dma_wait3A_39 = tpu.memref_squeeze %dma_wait3A_38 : memref<1x125x80xi32, #tpu.memory_space<hbm>> -> memref<125x80xi32, #tpu.memory_space<hbm>>
      %dma_wait3A_40 = arith.constant 0 : i32
      %dma_wait3A_41 = arith.constant 0 : i32
      %dma_wait3A_42 = tpu.memref_slice %arg4[%add3A, %dma_wait3A_40, %dma_wait3A_41] : memref<32x125x80xi32, #tpu.memory_space<hbm>> -> memref<1x125x80xi32, #tpu.memory_space<hbm>>
      %dma_wait3A_43 = tpu.memref_squeeze %dma_wait3A_42 : memref<1x125x80xi32, #tpu.memory_space<hbm>> -> memref<125x80xi32, #tpu.memory_space<hbm>>
      tpu.wait_dma2 semaphore(%run_scoped3A_27 : memref<!tpu.dma_semaphore, #tpu.memory_space<semaphore_mem>>) src(%dma_wait3A_43 : memref<125x80xi32, #tpu.memory_space<hbm>>) dst(%arg8 : memref<125x80xi32, #tpu.memory_space<vmem>>)
      tpu.yield
    }) : () -> ()
    %barrier3A = arith.constant 0 : index
    tpu.barrier barrier_id(%barrier3A)
    %dma_start3A = arith.constant 0 : i32
    %dma_start3A_5 = arith.constant 0 : i32
    %dma_start3A_6 = tpu.memref_slice %arg7[%dma_start3A, %dma_start3A_5] : memref<125x80xi32, #tpu.memory_space<vmem>> -> memref<1x80xi32, #tpu.memory_space<vmem>>
    %dma_start3A_7 = tpu.memref_squeeze %dma_start3A_6 : memref<1x80xi32, #tpu.memory_space<vmem>> -> memref<80xi32, #tpu.memory_space<vmem>>
    %dma_start3A_8 = arith.constant 0 : i32
    %dma_start3A_9 = arith.constant 0 : i32
    %dma_start3A_10 = tpu.memref_slice %arg2[%dma_start3A_8, %dma_start3A_9] : memref<10000x32xf32, #tpu.memory_space<hbm>> -> memref<10000x32xf32, #tpu.memory_space<hbm>>
    tpu.enqueue_indirect_dma source(%dma_start3A_10 : memref<10000x32xf32, #tpu.memory_space<hbm>>) target(%arg9 : memref<80x32xf32, #tpu.memory_space<vmem>>) offsets(%dma_start3A_7 : memref<80xi32, #tpu.memory_space<vmem>>) semaphore(%arg11 : memref<!tpu.dma_semaphore, #tpu.memory_space<semaphore_mem>>)
    %scan3A = arith.constant 0 : i32
    %scan3A_11 = arith.constant 0 : i32
    %scan3A_12 = arith.constant 62 : i32
    %scan3A_13 = arith.addi %scan3A_11, %scan3A_12 : i32
    %scan3A_14 = arith.constant 1 : i32
    scf.for %scan3A_27 = %scan3A_11 to %scan3A_13 step %scan3A_14  : i32 {
      %mul3A_28 = arith.constant 2 : i32
      %mul3A_29 = arith.muli %mul3A_28, %scan3A_27 : i32
      %add3A_30 = arith.constant 1 : i32
      %add3A_31 = arith.addi %mul3A_29, %add3A_30 : i32
      %dma_start3A_32 = arith.constant 0 : i32
      %dma_start3A_33 = tpu.memref_slice %arg7[%add3A_31, %dma_start3A_32] : memref<125x80xi32, #tpu.memory_space<vmem>> -> memref<1x80xi32, #tpu.memory_space<vmem>>
      %dma_start3A_34 = tpu.memref_squeeze %dma_start3A_33 : memref<1x80xi32, #tpu.memory_space<vmem>> -> memref<80xi32, #tpu.memory_space<vmem>>
      %dma_start3A_35 = arith.constant 0 : i32
      %dma_start3A_36 = arith.constant 0 : i32
      %dma_start3A_37 = tpu.memref_slice %arg2[%dma_start3A_35, %dma_start3A_36] : memref<10000x32xf32, #tpu.memory_space<hbm>> -> memref<10000x32xf32, #tpu.memory_space<hbm>>
      tpu.enqueue_indirect_dma source(%dma_start3A_37 : memref<10000x32xf32, #tpu.memory_space<hbm>>) target(%arg10 : memref<80x32xf32, #tpu.memory_space<vmem>>) offsets(%dma_start3A_34 : memref<80xi32, #tpu.memory_space<vmem>>) semaphore(%arg12 : memref<!tpu.dma_semaphore, #tpu.memory_space<semaphore_mem>>)
      %dma_wait3A_38 = arith.constant 0 : i32
      %dma_wait3A_39 = tpu.memref_slice %arg7[%mul3A_29, %dma_wait3A_38] : memref<125x80xi32, #tpu.memory_space<vmem>> -> memref<1x80xi32, #tpu.memory_space<vmem>>
      %dma_wait3A_40 = tpu.memref_squeeze %dma_wait3A_39 : memref<1x80xi32, #tpu.memory_space<vmem>> -> memref<80xi32, #tpu.memory_space<vmem>>
      %dma_wait3A_41 = arith.constant 0 : i32
      %dma_wait3A_42 = arith.constant 0 : i32
      %dma_wait3A_43 = tpu.memref_slice %arg2[%dma_wait3A_41, %dma_wait3A_42] : memref<10000x32xf32, #tpu.memory_space<hbm>> -> memref<10000x32xf32, #tpu.memory_space<hbm>>
      tpu.wait_indirect_dma semaphore(%arg11 : memref<!tpu.dma_semaphore, #tpu.memory_space<semaphore_mem>>) src(%dma_wait3A_43 : memref<10000x32xf32, #tpu.memory_space<hbm>>) dst(%arg9 : memref<80x32xf32, #tpu.memory_space<vmem>>)
      "tpu.region"() ({
        %run_scoped3A_62 = tpu.sem_alloc : memref<!tpu.dma_semaphore, #tpu.memory_space<semaphore_mem>>
        %dma_start3A_63 = arith.constant 0 : i32
        %dma_start3A_64 = tpu.memref_slice %arg8[%mul3A_29, %dma_start3A_63] : memref<125x80xi32, #tpu.memory_space<vmem>> -> memref<1x80xi32, #tpu.memory_space<vmem>>
        %dma_start3A_65 = tpu.memref_squeeze %dma_start3A_64 : memref<1x80xi32, #tpu.memory_space<vmem>> -> memref<80xi32, #tpu.memory_space<vmem>>
        %dma_start3A_66 = arith.constant 0 : i32
        %dma_start3A_67 = arith.constant 0 : i32
        %dma_start3A_68 = tpu.memref_slice %arg13[%dma_start3A_66, %dma_start3A_67] : memref<10112x32xf32, #tpu.memory_space<vmem_shared>> -> memref<10112x32xf32, #tpu.memory_space<vmem_shared>>
        tpu.enqueue_indirect_dma source(%arg9 : memref<80x32xf32, #tpu.memory_space<vmem>>) target(%dma_start3A_68 : memref<10112x32xf32, #tpu.memory_space<vmem_shared>>) offsets(%dma_start3A_65 : memref<80xi32, #tpu.memory_space<vmem>>) semaphore(%run_scoped3A_62 : memref<!tpu.dma_semaphore, #tpu.memory_space<semaphore_mem>>) {add = true}
        %dma_wait3A_69 = arith.constant 0 : i32
        %dma_wait3A_70 = tpu.memref_slice %arg8[%mul3A_29, %dma_wait3A_69] : memref<125x80xi32, #tpu.memory_space<vmem>> -> memref<1x80xi32, #tpu.memory_space<vmem>>
        %dma_wait3A_71 = tpu.memref_squeeze %dma_wait3A_70 : memref<1x80xi32, #tpu.memory_space<vmem>> -> memref<80xi32, #tpu.memory_space<vmem>>
        %dma_wait3A_72 = arith.constant 0 : i32
        %dma_wait3A_73 = arith.constant 0 : i32
        %dma_wait3A_74 = tpu.memref_slice %arg13[%dma_wait3A_72, %dma_wait3A_73] : memref<10112x32xf32, #tpu.memory_space<vmem_shared>> -> memref<10112x32xf32, #tpu.memory_space<vmem_shared>>
        tpu.wait_indirect_dma semaphore(%run_scoped3A_62 : memref<!tpu.dma_semaphore, #tpu.memory_space<semaphore_mem>>) src(%arg9 : memref<80x32xf32, #tpu.memory_space<vmem>>) dst(%dma_wait3A_74 : memref<10112x32xf32, #tpu.memory_space<vmem_shared>>)
        tpu.yield
      }) : () -> ()
      %add3A_44 = arith.constant 2 : i32
      %add3A_45 = arith.addi %mul3A_29, %add3A_44 : i32
      %dma_start3A_46 = arith.constant 0 : i32
      %dma_start3A_47 = tpu.memref_slice %arg7[%add3A_45, %dma_start3A_46] : memref<125x80xi32, #tpu.memory_space<vmem>> -> memref<1x80xi32, #tpu.memory_space<vmem>>
      %dma_start3A_48 = tpu.memref_squeeze %dma_start3A_47 : memref<1x80xi32, #tpu.memory_space<vmem>> -> memref<80xi32, #tpu.memory_space<vmem>>
      %dma_start3A_49 = arith.constant 0 : i32
      %dma_start3A_50 = arith.constant 0 : i32
      %dma_start3A_51 = tpu.memref_slice %arg2[%dma_start3A_49, %dma_start3A_50] : memref<10000x32xf32, #tpu.memory_space<hbm>> -> memref<10000x32xf32, #tpu.memory_space<hbm>>
      tpu.enqueue_indirect_dma source(%dma_start3A_51 : memref<10000x32xf32, #tpu.memory_space<hbm>>) target(%arg9 : memref<80x32xf32, #tpu.memory_space<vmem>>) offsets(%dma_start3A_48 : memref<80xi32, #tpu.memory_space<vmem>>) semaphore(%arg11 : memref<!tpu.dma_semaphore, #tpu.memory_space<semaphore_mem>>)
      %add3A_52 = arith.constant 1 : i32
      %add3A_53 = arith.addi %mul3A_29, %add3A_52 : i32
      %dma_wait3A_54 = arith.constant 0 : i32
      %dma_wait3A_55 = tpu.memref_slice %arg7[%add3A_53, %dma_wait3A_54] : memref<125x80xi32, #tpu.memory_space<vmem>> -> memref<1x80xi32, #tpu.memory_space<vmem>>
      %dma_wait3A_56 = tpu.memref_squeeze %dma_wait3A_55 : memref<1x80xi32, #tpu.memory_space<vmem>> -> memref<80xi32, #tpu.memory_space<vmem>>
      %dma_wait3A_57 = arith.constant 0 : i32
      %dma_wait3A_58 = arith.constant 0 : i32
      %dma_wait3A_59 = tpu.memref_slice %arg2[%dma_wait3A_57, %dma_wait3A_58] : memref<10000x32xf32, #tpu.memory_space<hbm>> -> memref<10000x32xf32, #tpu.memory_space<hbm>>
      tpu.wait_indirect_dma semaphore(%arg12 : memref<!tpu.dma_semaphore, #tpu.memory_space<semaphore_mem>>) src(%dma_wait3A_59 : memref<10000x32xf32, #tpu.memory_space<hbm>>) dst(%arg10 : memref<80x32xf32, #tpu.memory_space<vmem>>)
      %add3A_60 = arith.constant 1 : i32
      %add3A_61 = arith.addi %mul3A_29, %add3A_60 : i32
      "tpu.region"() ({
        %run_scoped3A_62 = tpu.sem_alloc : memref<!tpu.dma_semaphore, #tpu.memory_space<semaphore_mem>>
        %dma_start3A_63 = arith.constant 0 : i32
        %dma_start3A_64 = tpu.memref_slice %arg8[%add3A_61, %dma_start3A_63] : memref<125x80xi32, #tpu.memory_space<vmem>> -> memref<1x80xi32, #tpu.memory_space<vmem>>
        %dma_start3A_65 = tpu.memref_squeeze %dma_start3A_64 : memref<1x80xi32, #tpu.memory_space<vmem>> -> memref<80xi32, #tpu.memory_space<vmem>>
        %dma_start3A_66 = arith.constant 0 : i32
        %dma_start3A_67 = arith.constant 0 : i32
        %dma_start3A_68 = tpu.memref_slice %arg13[%dma_start3A_66, %dma_start3A_67] : memref<10112x32xf32, #tpu.memory_space<vmem_shared>> -> memref<10112x32xf32, #tpu.memory_space<vmem_shared>>
        tpu.enqueue_indirect_dma source(%arg10 : memref<80x32xf32, #tpu.memory_space<vmem>>) target(%dma_start3A_68 : memref<10112x32xf32, #tpu.memory_space<vmem_shared>>) offsets(%dma_start3A_65 : memref<80xi32, #tpu.memory_space<vmem>>) semaphore(%run_scoped3A_62 : memref<!tpu.dma_semaphore, #tpu.memory_space<semaphore_mem>>) {add = true}
        %dma_wait3A_69 = arith.constant 0 : i32
        %dma_wait3A_70 = tpu.memref_slice %arg8[%add3A_61, %dma_wait3A_69] : memref<125x80xi32, #tpu.memory_space<vmem>> -> memref<1x80xi32, #tpu.memory_space<vmem>>
        %dma_wait3A_71 = tpu.memref_squeeze %dma_wait3A_70 : memref<1x80xi32, #tpu.memory_space<vmem>> -> memref<80xi32, #tpu.memory_space<vmem>>
        %dma_wait3A_72 = arith.constant 0 : i32
        %dma_wait3A_73 = arith.constant 0 : i32
        %dma_wait3A_74 = tpu.memref_slice %arg13[%dma_wait3A_72, %dma_wait3A_73] : memref<10112x32xf32, #tpu.memory_space<vmem_shared>> -> memref<10112x32xf32, #tpu.memory_space<vmem_shared>>
        tpu.wait_indirect_dma semaphore(%run_scoped3A_62 : memref<!tpu.dma_semaphore, #tpu.memory_space<semaphore_mem>>) src(%arg10 : memref<80x32xf32, #tpu.memory_space<vmem>>) dst(%dma_wait3A_74 : memref<10112x32xf32, #tpu.memory_space<vmem_shared>>)
        tpu.yield
      }) : () -> ()
    }
    %scan3A_15 = arith.constant 62 : i32
    %dma_wait3A = arith.constant 124 : i32
    %dma_wait3A_16 = arith.constant 0 : i32
    %dma_wait3A_17 = tpu.memref_slice %arg7[%dma_wait3A, %dma_wait3A_16] : memref<125x80xi32, #tpu.memory_space<vmem>> -> memref<1x80xi32, #tpu.memory_space<vmem>>
    %dma_wait3A_18 = tpu.memref_squeeze %dma_wait3A_17 : memref<1x80xi32, #tpu.memory_space<vmem>> -> memref<80xi32, #tpu.memory_space<vmem>>
    %dma_wait3A_19 = arith.constant 0 : i32
    %dma_wait3A_20 = arith.constant 0 : i32
    %dma_wait3A_21 = tpu.memref_slice %arg2[%dma_wait3A_19, %dma_wait3A_20] : memref<10000x32xf32, #tpu.memory_space<hbm>> -> memref<10000x32xf32, #tpu.memory_space<hbm>>
    tpu.wait_indirect_dma semaphore(%arg11 : memref<!tpu.dma_semaphore, #tpu.memory_space<semaphore_mem>>) src(%dma_wait3A_21 : memref<10000x32xf32, #tpu.memory_space<hbm>>) dst(%arg9 : memref<80x32xf32, #tpu.memory_space<vmem>>)
    %run_scoped3A = arith.constant 124 : i32
    "tpu.region"() ({
      %run_scoped3A_27 = tpu.sem_alloc : memref<!tpu.dma_semaphore, #tpu.memory_space<semaphore_mem>>
      %dma_start3A_28 = arith.constant 0 : i32
      %dma_start3A_29 = tpu.memref_slice %arg8[%run_scoped3A, %dma_start3A_28] : memref<125x80xi32, #tpu.memory_space<vmem>> -> memref<1x80xi32, #tpu.memory_space<vmem>>
      %dma_start3A_30 = tpu.memref_squeeze %dma_start3A_29 : memref<1x80xi32, #tpu.memory_space<vmem>> -> memref<80xi32, #tpu.memory_space<vmem>>
      %dma_start3A_31 = arith.constant 0 : i32
      %dma_start3A_32 = arith.constant 0 : i32
      %dma_start3A_33 = tpu.memref_slice %arg13[%dma_start3A_31, %dma_start3A_32] : memref<10112x32xf32, #tpu.memory_space<vmem_shared>> -> memref<10112x32xf32, #tpu.memory_space<vmem_shared>>
      tpu.enqueue_indirect_dma source(%arg9 : memref<80x32xf32, #tpu.memory_space<vmem>>) target(%dma_start3A_33 : memref<10112x32xf32, #tpu.memory_space<vmem_shared>>) offsets(%dma_start3A_30 : memref<80xi32, #tpu.memory_space<vmem>>) semaphore(%run_scoped3A_27 : memref<!tpu.dma_semaphore, #tpu.memory_space<semaphore_mem>>) {add = true}
      %dma_wait3A_34 = arith.constant 0 : i32
      %dma_wait3A_35 = tpu.memref_slice %arg8[%run_scoped3A, %dma_wait3A_34] : memref<125x80xi32, #tpu.memory_space<vmem>> -> memref<1x80xi32, #tpu.memory_space<vmem>>
      %dma_wait3A_36 = tpu.memref_squeeze %dma_wait3A_35 : memref<1x80xi32, #tpu.memory_space<vmem>> -> memref<80xi32, #tpu.memory_space<vmem>>
      %dma_wait3A_37 = arith.constant 0 : i32
      %dma_wait3A_38 = arith.constant 0 : i32
      %dma_wait3A_39 = tpu.memref_slice %arg13[%dma_wait3A_37, %dma_wait3A_38] : memref<10112x32xf32, #tpu.memory_space<vmem_shared>> -> memref<10112x32xf32, #tpu.memory_space<vmem_shared>>
      tpu.wait_indirect_dma semaphore(%run_scoped3A_27 : memref<!tpu.dma_semaphore, #tpu.memory_space<semaphore_mem>>) src(%arg9 : memref<80x32xf32, #tpu.memory_space<vmem>>) dst(%dma_wait3A_39 : memref<10112x32xf32, #tpu.memory_space<vmem_shared>>)
      tpu.yield
    }) : () -> ()
    %barrier3A_22 = arith.constant 0 : index
    tpu.barrier barrier_id(%barrier3A_22)
    %mul3A_23 = arith.constant 632 : i32
    %mul3A_24 = arith.muli %arg1, %mul3A_23 : i32
    %mul3A_25 = arith.constant 632 : i32
    %mul3A_26 = arith.muli %arg1, %mul3A_25 : i32
    "tpu.region"() ({
      %run_scoped3A_27 = tpu.sem_alloc : memref<!tpu.dma_semaphore, #tpu.memory_space<semaphore_mem>>
      %dma_start3A_28 = arith.constant 0 : i32
      %dma_start3A_29 = tpu.memref_slice %arg6[%arg0, %mul3A_26, %dma_start3A_28] : memref<2x10112x32xf32, #tpu.memory_space<hbm>> -> memref<1x632x32xf32, #tpu.memory_space<hbm>>
      %dma_start3A_30 = tpu.memref_squeeze %dma_start3A_29 : memref<1x632x32xf32, #tpu.memory_space<hbm>> -> memref<632x32xf32, #tpu.memory_space<hbm>>
      %dma_start3A_31 = arith.constant 0 : i32
      %dma_start3A_32 = tpu.memref_slice %arg13[%mul3A_24, %dma_start3A_31] : memref<10112x32xf32, #tpu.memory_space<vmem_shared>> -> memref<632x32xf32, #tpu.memory_space<vmem_shared>>
      tpu.enqueue_dma source(%dma_start3A_32 : memref<632x32xf32, #tpu.memory_space<vmem_shared>>) target(%dma_start3A_30 : memref<632x32xf32, #tpu.memory_space<hbm>>) target_semaphore(%run_scoped3A_27 : memref<!tpu.dma_semaphore, #tpu.memory_space<semaphore_mem>>)
      %dma_wait3A_33 = arith.constant 0 : i32
      %dma_wait3A_34 = tpu.memref_slice %arg6[%arg0, %mul3A_26, %dma_wait3A_33] : memref<2x10112x32xf32, #tpu.memory_space<hbm>> -> memref<1x632x32xf32, #tpu.memory_space<hbm>>
      %dma_wait3A_35 = tpu.memref_squeeze %dma_wait3A_34 : memref<1x632x32xf32, #tpu.memory_space<hbm>> -> memref<632x32xf32, #tpu.memory_space<hbm>>
      %dma_wait3A_36 = arith.constant 0 : i32
      %dma_wait3A_37 = tpu.memref_slice %arg13[%mul3A_24, %dma_wait3A_36] : memref<10112x32xf32, #tpu.memory_space<vmem_shared>> -> memref<632x32xf32, #tpu.memory_space<vmem_shared>>
      tpu.wait_dma2 semaphore(%run_scoped3A_27 : memref<!tpu.dma_semaphore, #tpu.memory_space<semaphore_mem>>) src(%dma_wait3A_37 : memref<632x32xf32, #tpu.memory_space<vmem_shared>>) dst(%dma_wait3A_35 : memref<632x32xf32, #tpu.memory_space<hbm>>)
      tpu.yield
    }) : () -> ()
    return
  }
}

module attributes {stable_mosaic.version = 14 : i64} {
  func.func @_gin_body(%arg0: memref<10000x128xf32, #tpu.memory_space<vmem>>, %arg1: memref<2x10112x128xf32, #tpu.memory_space<vmem>>, %arg2: memref<128x32xf32, #tpu.memory_space<vmem>>, %arg3: memref<1x32xf32, #tpu.memory_space<vmem>>, %arg4: memref<1x32xf32, #tpu.memory_space<vmem>>, %arg5: memref<1x32xf32, #tpu.memory_space<vmem>>, %arg6: memref<32x32xf32, #tpu.memory_space<vmem>>, %arg7: memref<1x32xf32, #tpu.memory_space<vmem>>, %arg8: memref<10000x32xf32, #tpu.memory_space<vmem>>, %arg9: memref<10000x1xf32, #tpu.memory_space<vmem>>) attributes {dimension_semantics = [], scalar_prefetch = 0 : i64, scratch_operands = 0 : i64, tpu.core_type = #tpu.core_type<tc>} {
    %get3A = arith.constant 0 : index
    %get3A_0 = arith.constant 0 : index
    %get3A_1 = vector.load %arg0[%get3A, %get3A_0] : memref<10000x128xf32, #tpu.memory_space<vmem>>, vector<10000x128xf32>
    %get3A_2 = arith.constant 0 : index
    %get3A_3 = arith.constant 0 : index
    %get3A_4 = arith.constant 0 : index
    %get3A_5 = vector.load %arg1[%get3A_2, %get3A_3, %get3A_4] : memref<2x10112x128xf32, #tpu.memory_space<vmem>>, vector<1x10000x128xf32>
    %get3A_6 = vector.shape_cast %get3A_5 : vector<1x10000x128xf32> to vector<10000x128xf32>
    %add3A = arith.addf %get3A_1, %get3A_6 : vector<10000x128xf32>
    %get3A_7 = arith.constant 1 : index
    %get3A_8 = arith.constant 0 : index
    %get3A_9 = arith.constant 0 : index
    %get3A_10 = vector.load %arg1[%get3A_7, %get3A_8, %get3A_9] : memref<2x10112x128xf32, #tpu.memory_space<vmem>>, vector<1x10000x128xf32>
    %get3A_11 = vector.shape_cast %get3A_10 : vector<1x10000x128xf32> to vector<10000x128xf32>
    %add3A_12 = arith.addf %add3A, %get3A_11 : vector<10000x128xf32>
    %get3A_13 = arith.constant 0 : index
    %get3A_14 = arith.constant 0 : index
    %get3A_15 = vector.load %arg2[%get3A_13, %get3A_14] : memref<128x32xf32, #tpu.memory_space<vmem>>, vector<128x32xf32>
    %dot_general3A = arith.constant dense<0.000000e+00> : vector<10000x32xf32>
    %dot_general3A_16 = tpu.matmul %add3A_12, %get3A_15, %dot_general3A {dimension_numbers = #tpu.dot_dimension_numbers<[1], [0], [0], [1], [0, 0, 1, 1], [], []>, transpose_lhs_hint = false} : vector<10000x128xf32>, vector<128x32xf32>, vector<10000x32xf32> -> vector<10000x32xf32>
    %get3A_17 = arith.constant 0 : index
    %get3A_18 = arith.constant 0 : index
    %get3A_19 = vector.load %arg3[%get3A_17, %get3A_18] : memref<1x32xf32, #tpu.memory_space<vmem>>, vector<1x32xf32>
    %add3A_20 = vector.broadcast %get3A_19 : vector<1x32xf32> to vector<10000x32xf32>
    %add3A_21 = arith.addf %dot_general3A_16, %add3A_20 : vector<10000x32xf32>
    %get3A_22 = arith.constant 0 : index
    %get3A_23 = arith.constant 0 : index
    %get3A_24 = vector.load %arg4[%get3A_22, %get3A_23] : memref<1x32xf32, #tpu.memory_space<vmem>>, vector<1x32xf32>
    %get3A_25 = arith.constant 0 : index
    %get3A_26 = arith.constant 0 : index
    %get3A_27 = vector.load %arg5[%get3A_25, %get3A_26] : memref<1x32xf32, #tpu.memory_space<vmem>>, vector<1x32xf32>
    %reduce_sum3A = arith.constant dense<0.000000e+00> : vector<32xf32>
    %reduce_sum3A_28 = vector.multi_reduction <add>, %add3A_21, %reduce_sum3A [0] : vector<10000x32xf32> to vector<32xf32>
    %broadcast_in_dim3A = vector.shape_cast %reduce_sum3A_28 : vector<32xf32> to vector<1x32xf32>
    %div3A = arith.constant 1.000000e+04 : f32
    %div3A_29 = vector.broadcast %div3A : f32 to vector<1x32xf32>
    %div3A_30 = arith.divf %broadcast_in_dim3A, %div3A_29 : vector<1x32xf32>
    %jit3A = arith.constant 0 : i32
    %reduce_sum3A_31 = arith.constant dense<0.000000e+00> : vector<32xf32>
    %reduce_sum3A_32 = vector.multi_reduction <add>, %add3A_21, %reduce_sum3A_31 [0] : vector<10000x32xf32> to vector<32xf32>
    %broadcast_in_dim3A_33 = vector.shape_cast %reduce_sum3A_32 : vector<32xf32> to vector<1x32xf32>
    %div3A_34 = arith.constant 1.000000e+04 : f32
    %div3A_35 = vector.broadcast %div3A_34 : f32 to vector<1x32xf32>
    %div3A_36 = arith.divf %broadcast_in_dim3A_33, %div3A_35 : vector<1x32xf32>
    %sub3A = vector.broadcast %div3A_36 : vector<1x32xf32> to vector<10000x32xf32>
    %sub3A_37 = arith.subf %add3A_21, %sub3A : vector<10000x32xf32>
    %square3A = arith.mulf %sub3A_37, %sub3A_37 : vector<10000x32xf32>
    %convert_element_type3A = arith.sitofp %jit3A : i32 to f32
    %sub3A_38 = arith.constant 1.000000e+04 : f32
    %sub3A_39 = arith.subf %sub3A_38, %convert_element_type3A : f32
    %reduce_sum3A_40 = arith.constant dense<0.000000e+00> : vector<32xf32>
    %reduce_sum3A_41 = vector.multi_reduction <add>, %square3A, %reduce_sum3A_40 [0] : vector<10000x32xf32> to vector<32xf32>
    %broadcast_in_dim3A_42 = vector.shape_cast %reduce_sum3A_41 : vector<32xf32> to vector<1x32xf32>
    %div3A_43 = vector.broadcast %sub3A_39 : f32 to vector<1x32xf32>
    %div3A_44 = arith.divf %broadcast_in_dim3A_42, %div3A_43 : vector<1x32xf32>
    %gt3A = arith.constant 0.000000e+00 : f32
    %gt3A_45 = arith.cmpf ogt, %sub3A_39, %gt3A : f32
    %jit3A_46 = arith.constant 0x7FC00000 : f32
    %broadcast_in_dim3A_47 = vector.broadcast %jit3A_46 : f32 to vector<1x32xf32>
    %select_n3A = arith.select %gt3A_45, %div3A_44, %broadcast_in_dim3A_47 : vector<1x32xf32>
    %sub3A_48 = vector.broadcast %div3A_30 : vector<1x32xf32> to vector<10000x32xf32>
    %sub3A_49 = arith.subf %add3A_21, %sub3A_48 : vector<10000x32xf32>
    %mul3A = vector.broadcast %get3A_24 : vector<1x32xf32> to vector<10000x32xf32>
    %mul3A_50 = arith.mulf %mul3A, %sub3A_49 : vector<10000x32xf32>
    %add3A_51 = arith.constant 9.99999974E-6 : f32
    %add3A_52 = vector.broadcast %add3A_51 : f32 to vector<1x32xf32>
    %add3A_53 = arith.addf %select_n3A, %add3A_52 : vector<1x32xf32>
    %sqrt3A = math.sqrt %add3A_53 : vector<1x32xf32>
    %div3A_54 = vector.broadcast %sqrt3A : vector<1x32xf32> to vector<10000x32xf32>
    %div3A_55 = arith.divf %mul3A_50, %div3A_54 : vector<10000x32xf32>
    %add3A_56 = vector.broadcast %get3A_27 : vector<1x32xf32> to vector<10000x32xf32>
    %add3A_57 = arith.addf %div3A_55, %add3A_56 : vector<10000x32xf32>
    %max3A = arith.constant 0.000000e+00 : f32
    %max3A_58 = vector.broadcast %max3A : f32 to vector<10000x32xf32>
    %max3A_59 = arith.maximumf %add3A_57, %max3A_58 : vector<10000x32xf32>
    %get3A_60 = arith.constant 0 : index
    %get3A_61 = arith.constant 0 : index
    %get3A_62 = vector.load %arg6[%get3A_60, %get3A_61] : memref<32x32xf32, #tpu.memory_space<vmem>>, vector<32x32xf32>
    %dot_general3A_63 = arith.constant dense<0.000000e+00> : vector<10000x32xf32>
    %dot_general3A_64 = tpu.matmul %max3A_59, %get3A_62, %dot_general3A_63 {dimension_numbers = #tpu.dot_dimension_numbers<[1], [0], [0], [1], [0, 0, 1, 1], [], []>, transpose_lhs_hint = false} : vector<10000x32xf32>, vector<32x32xf32>, vector<10000x32xf32> -> vector<10000x32xf32>
    %get3A_65 = arith.constant 0 : index
    %get3A_66 = arith.constant 0 : index
    %get3A_67 = vector.load %arg7[%get3A_65, %get3A_66] : memref<1x32xf32, #tpu.memory_space<vmem>>, vector<1x32xf32>
    %add3A_68 = vector.broadcast %get3A_67 : vector<1x32xf32> to vector<10000x32xf32>
    %add3A_69 = arith.addf %dot_general3A_64, %add3A_68 : vector<10000x32xf32>
    %max3A_70 = arith.constant 0.000000e+00 : f32
    %max3A_71 = vector.broadcast %max3A_70 : f32 to vector<10000x32xf32>
    %max3A_72 = arith.maximumf %add3A_69, %max3A_71 : vector<10000x32xf32>
    %swap3A = arith.constant 0 : index
    %swap3A_73 = arith.constant 0 : index
    %swap3A_74 = vector.load %arg8[%swap3A, %swap3A_73] : memref<10000x32xf32, #tpu.memory_space<vmem>>, vector<10000x32xf32>
    tpu.vector_store %arg8[%swap3A, %swap3A_73], %max3A_72 {strides = array<i32>} : memref<10000x32xf32, #tpu.memory_space<vmem>>, vector<10000x32xf32>,
    %reduce_sum3A_75 = arith.constant dense<0.000000e+00> : vector<10000xf32>
    %reduce_sum3A_76 = vector.multi_reduction <add>, %max3A_72, %reduce_sum3A_75 [1] : vector<10000x32xf32> to vector<10000xf32>
    %broadcast_in_dim3A_77 = vector.shape_cast %reduce_sum3A_76 : vector<10000xf32> to vector<10000x1xf32>
    %swap3A_78 = arith.constant 0 : index
    %swap3A_79 = arith.constant 0 : index
    %swap3A_80 = vector.load %arg9[%swap3A_78, %swap3A_79] : memref<10000x1xf32, #tpu.memory_space<vmem>>, vector<10000x1xf32>
    tpu.vector_store %arg9[%swap3A_78, %swap3A_79], %broadcast_in_dim3A_77 {strides = array<i32>} : memref<10000x1xf32, #tpu.memory_space<vmem>>, vector<10000x1xf32>,
    return
  }
}

module attributes {stable_mosaic.version = 14 : i64} {
  func.func @_gin_body(%arg0: memref<10000x32xf32, #tpu.memory_space<vmem>>, %arg1: memref<2x10112x32xf32, #tpu.memory_space<vmem>>, %arg2: memref<32x32xf32, #tpu.memory_space<vmem>>, %arg3: memref<1x32xf32, #tpu.memory_space<vmem>>, %arg4: memref<1x32xf32, #tpu.memory_space<vmem>>, %arg5: memref<1x32xf32, #tpu.memory_space<vmem>>, %arg6: memref<32x32xf32, #tpu.memory_space<vmem>>, %arg7: memref<1x32xf32, #tpu.memory_space<vmem>>, %arg8: memref<10000x32xf32, #tpu.memory_space<vmem>>, %arg9: memref<10000x1xf32, #tpu.memory_space<vmem>>) attributes {dimension_semantics = [], scalar_prefetch = 0 : i64, scratch_operands = 0 : i64, tpu.core_type = #tpu.core_type<tc>} {
    %get3A = arith.constant 0 : index
    %get3A_0 = arith.constant 0 : index
    %get3A_1 = vector.load %arg0[%get3A, %get3A_0] : memref<10000x32xf32, #tpu.memory_space<vmem>>, vector<10000x32xf32>
    %get3A_2 = arith.constant 0 : index
    %get3A_3 = arith.constant 0 : index
    %get3A_4 = arith.constant 0 : index
    %get3A_5 = vector.load %arg1[%get3A_2, %get3A_3, %get3A_4] : memref<2x10112x32xf32, #tpu.memory_space<vmem>>, vector<1x10000x32xf32>
    %get3A_6 = vector.shape_cast %get3A_5 : vector<1x10000x32xf32> to vector<10000x32xf32>
    %add3A = arith.addf %get3A_1, %get3A_6 : vector<10000x32xf32>
    %get3A_7 = arith.constant 1 : index
    %get3A_8 = arith.constant 0 : index
    %get3A_9 = arith.constant 0 : index
    %get3A_10 = vector.load %arg1[%get3A_7, %get3A_8, %get3A_9] : memref<2x10112x32xf32, #tpu.memory_space<vmem>>, vector<1x10000x32xf32>
    %get3A_11 = vector.shape_cast %get3A_10 : vector<1x10000x32xf32> to vector<10000x32xf32>
    %add3A_12 = arith.addf %add3A, %get3A_11 : vector<10000x32xf32>
    %get3A_13 = arith.constant 0 : index
    %get3A_14 = arith.constant 0 : index
    %get3A_15 = vector.load %arg2[%get3A_13, %get3A_14] : memref<32x32xf32, #tpu.memory_space<vmem>>, vector<32x32xf32>
    %dot_general3A = arith.constant dense<0.000000e+00> : vector<10000x32xf32>
    %dot_general3A_16 = tpu.matmul %add3A_12, %get3A_15, %dot_general3A {dimension_numbers = #tpu.dot_dimension_numbers<[1], [0], [0], [1], [0, 0, 1, 1], [], []>, transpose_lhs_hint = false} : vector<10000x32xf32>, vector<32x32xf32>, vector<10000x32xf32> -> vector<10000x32xf32>
    %get3A_17 = arith.constant 0 : index
    %get3A_18 = arith.constant 0 : index
    %get3A_19 = vector.load %arg3[%get3A_17, %get3A_18] : memref<1x32xf32, #tpu.memory_space<vmem>>, vector<1x32xf32>
    %add3A_20 = vector.broadcast %get3A_19 : vector<1x32xf32> to vector<10000x32xf32>
    %add3A_21 = arith.addf %dot_general3A_16, %add3A_20 : vector<10000x32xf32>
    %get3A_22 = arith.constant 0 : index
    %get3A_23 = arith.constant 0 : index
    %get3A_24 = vector.load %arg4[%get3A_22, %get3A_23] : memref<1x32xf32, #tpu.memory_space<vmem>>, vector<1x32xf32>
    %get3A_25 = arith.constant 0 : index
    %get3A_26 = arith.constant 0 : index
    %get3A_27 = vector.load %arg5[%get3A_25, %get3A_26] : memref<1x32xf32, #tpu.memory_space<vmem>>, vector<1x32xf32>
    %reduce_sum3A = arith.constant dense<0.000000e+00> : vector<32xf32>
    %reduce_sum3A_28 = vector.multi_reduction <add>, %add3A_21, %reduce_sum3A [0] : vector<10000x32xf32> to vector<32xf32>
    %broadcast_in_dim3A = vector.shape_cast %reduce_sum3A_28 : vector<32xf32> to vector<1x32xf32>
    %div3A = arith.constant 1.000000e+04 : f32
    %div3A_29 = vector.broadcast %div3A : f32 to vector<1x32xf32>
    %div3A_30 = arith.divf %broadcast_in_dim3A, %div3A_29 : vector<1x32xf32>
    %jit3A = arith.constant 0 : i32
    %reduce_sum3A_31 = arith.constant dense<0.000000e+00> : vector<32xf32>
    %reduce_sum3A_32 = vector.multi_reduction <add>, %add3A_21, %reduce_sum3A_31 [0] : vector<10000x32xf32> to vector<32xf32>
    %broadcast_in_dim3A_33 = vector.shape_cast %reduce_sum3A_32 : vector<32xf32> to vector<1x32xf32>
    %div3A_34 = arith.constant 1.000000e+04 : f32
    %div3A_35 = vector.broadcast %div3A_34 : f32 to vector<1x32xf32>
    %div3A_36 = arith.divf %broadcast_in_dim3A_33, %div3A_35 : vector<1x32xf32>
    %sub3A = vector.broadcast %div3A_36 : vector<1x32xf32> to vector<10000x32xf32>
    %sub3A_37 = arith.subf %add3A_21, %sub3A : vector<10000x32xf32>
    %square3A = arith.mulf %sub3A_37, %sub3A_37 : vector<10000x32xf32>
    %convert_element_type3A = arith.sitofp %jit3A : i32 to f32
    %sub3A_38 = arith.constant 1.000000e+04 : f32
    %sub3A_39 = arith.subf %sub3A_38, %convert_element_type3A : f32
    %reduce_sum3A_40 = arith.constant dense<0.000000e+00> : vector<32xf32>
    %reduce_sum3A_41 = vector.multi_reduction <add>, %square3A, %reduce_sum3A_40 [0] : vector<10000x32xf32> to vector<32xf32>
    %broadcast_in_dim3A_42 = vector.shape_cast %reduce_sum3A_41 : vector<32xf32> to vector<1x32xf32>
    %div3A_43 = vector.broadcast %sub3A_39 : f32 to vector<1x32xf32>
    %div3A_44 = arith.divf %broadcast_in_dim3A_42, %div3A_43 : vector<1x32xf32>
    %gt3A = arith.constant 0.000000e+00 : f32
    %gt3A_45 = arith.cmpf ogt, %sub3A_39, %gt3A : f32
    %jit3A_46 = arith.constant 0x7FC00000 : f32
    %broadcast_in_dim3A_47 = vector.broadcast %jit3A_46 : f32 to vector<1x32xf32>
    %select_n3A = arith.select %gt3A_45, %div3A_44, %broadcast_in_dim3A_47 : vector<1x32xf32>
    %sub3A_48 = vector.broadcast %div3A_30 : vector<1x32xf32> to vector<10000x32xf32>
    %sub3A_49 = arith.subf %add3A_21, %sub3A_48 : vector<10000x32xf32>
    %mul3A = vector.broadcast %get3A_24 : vector<1x32xf32> to vector<10000x32xf32>
    %mul3A_50 = arith.mulf %mul3A, %sub3A_49 : vector<10000x32xf32>
    %add3A_51 = arith.constant 9.99999974E-6 : f32
    %add3A_52 = vector.broadcast %add3A_51 : f32 to vector<1x32xf32>
    %add3A_53 = arith.addf %select_n3A, %add3A_52 : vector<1x32xf32>
    %sqrt3A = math.sqrt %add3A_53 : vector<1x32xf32>
    %div3A_54 = vector.broadcast %sqrt3A : vector<1x32xf32> to vector<10000x32xf32>
    %div3A_55 = arith.divf %mul3A_50, %div3A_54 : vector<10000x32xf32>
    %add3A_56 = vector.broadcast %get3A_27 : vector<1x32xf32> to vector<10000x32xf32>
    %add3A_57 = arith.addf %div3A_55, %add3A_56 : vector<10000x32xf32>
    %max3A = arith.constant 0.000000e+00 : f32
    %max3A_58 = vector.broadcast %max3A : f32 to vector<10000x32xf32>
    %max3A_59 = arith.maximumf %add3A_57, %max3A_58 : vector<10000x32xf32>
    %get3A_60 = arith.constant 0 : index
    %get3A_61 = arith.constant 0 : index
    %get3A_62 = vector.load %arg6[%get3A_60, %get3A_61] : memref<32x32xf32, #tpu.memory_space<vmem>>, vector<32x32xf32>
    %dot_general3A_63 = arith.constant dense<0.000000e+00> : vector<10000x32xf32>
    %dot_general3A_64 = tpu.matmul %max3A_59, %get3A_62, %dot_general3A_63 {dimension_numbers = #tpu.dot_dimension_numbers<[1], [0], [0], [1], [0, 0, 1, 1], [], []>, transpose_lhs_hint = false} : vector<10000x32xf32>, vector<32x32xf32>, vector<10000x32xf32> -> vector<10000x32xf32>
    %get3A_65 = arith.constant 0 : index
    %get3A_66 = arith.constant 0 : index
    %get3A_67 = vector.load %arg7[%get3A_65, %get3A_66] : memref<1x32xf32, #tpu.memory_space<vmem>>, vector<1x32xf32>
    %add3A_68 = vector.broadcast %get3A_67 : vector<1x32xf32> to vector<10000x32xf32>
    %add3A_69 = arith.addf %dot_general3A_64, %add3A_68 : vector<10000x32xf32>
    %max3A_70 = arith.constant 0.000000e+00 : f32
    %max3A_71 = vector.broadcast %max3A_70 : f32 to vector<10000x32xf32>
    %max3A_72 = arith.maximumf %add3A_69, %max3A_71 : vector<10000x32xf32>
    %swap3A = arith.constant 0 : index
    %swap3A_73 = arith.constant 0 : index
    %swap3A_74 = vector.load %arg8[%swap3A, %swap3A_73] : memref<10000x32xf32, #tpu.memory_space<vmem>>, vector<10000x32xf32>
    tpu.vector_store %arg8[%swap3A, %swap3A_73], %max3A_72 {strides = array<i32>} : memref<10000x32xf32, #tpu.memory_space<vmem>>, vector<10000x32xf32>,
    %reduce_sum3A_75 = arith.constant dense<0.000000e+00> : vector<10000xf32>
    %reduce_sum3A_76 = vector.multi_reduction <add>, %max3A_72, %reduce_sum3A_75 [1] : vector<10000x32xf32> to vector<10000xf32>
    %broadcast_in_dim3A_77 = vector.shape_cast %reduce_sum3A_76 : vector<10000xf32> to vector<10000x1xf32>
    %swap3A_78 = arith.constant 0 : index
    %swap3A_79 = arith.constant 0 : index
    %swap3A_80 = vector.load %arg9[%swap3A_78, %swap3A_79] : memref<10000x1xf32, #tpu.memory_space<vmem>>, vector<10000x1xf32>
    tpu.vector_store %arg9[%swap3A_78, %swap3A_79], %broadcast_in_dim3A_77 {strides = array<i32>} : memref<10000x1xf32, #tpu.memory_space<vmem>>, vector<10000x1xf32>,
    return
  }
}

module attributes {stable_mosaic.version = 14 : i64} {
  func.func @_final_body(%arg0: memref<10000x32xf32, #tpu.memory_space<vmem>>, %arg1: memref<2x10112x32xf32, #tpu.memory_space<vmem>>, %arg2: memref<32x32xf32, #tpu.memory_space<vmem>>, %arg3: memref<1x32xf32, #tpu.memory_space<vmem>>, %arg4: memref<1x32xf32, #tpu.memory_space<vmem>>, %arg5: memref<1x32xf32, #tpu.memory_space<vmem>>, %arg6: memref<32x1xf32, #tpu.memory_space<vmem>>, %arg7: memref<1x1xf32, #tpu.memory_space<vmem>>, %arg8: memref<10000x1xf32, #tpu.memory_space<vmem>>, %arg9: memref<10000x1xf32, #tpu.memory_space<vmem>>, %arg10: memref<4x32xf32, #tpu.memory_space<vmem>>, %arg11: memref<1x32xf32, #tpu.memory_space<vmem>>, %arg12: memref<32x1xf32, #tpu.memory_space<vmem>>, %arg13: memref<1x1xf32, #tpu.memory_space<vmem>>, %arg14: memref<10000x1xf32, #tpu.memory_space<vmem>>, %arg15: memref<10000x1xf32, #tpu.memory_space<vmem>>) attributes {dimension_semantics = [], scalar_prefetch = 0 : i64, scratch_operands = 0 : i64, tpu.core_type = #tpu.core_type<tc>} {
    %get3A = arith.constant 0 : index
    %get3A_0 = arith.constant 0 : index
    %get3A_1 = vector.load %arg0[%get3A, %get3A_0] : memref<10000x32xf32, #tpu.memory_space<vmem>>, vector<10000x32xf32>
    %get3A_2 = arith.constant 0 : index
    %get3A_3 = arith.constant 0 : index
    %get3A_4 = arith.constant 0 : index
    %get3A_5 = vector.load %arg1[%get3A_2, %get3A_3, %get3A_4] : memref<2x10112x32xf32, #tpu.memory_space<vmem>>, vector<1x10000x32xf32>
    %get3A_6 = vector.shape_cast %get3A_5 : vector<1x10000x32xf32> to vector<10000x32xf32>
    %add3A = arith.addf %get3A_1, %get3A_6 : vector<10000x32xf32>
    %get3A_7 = arith.constant 1 : index
    %get3A_8 = arith.constant 0 : index
    %get3A_9 = arith.constant 0 : index
    %get3A_10 = vector.load %arg1[%get3A_7, %get3A_8, %get3A_9] : memref<2x10112x32xf32, #tpu.memory_space<vmem>>, vector<1x10000x32xf32>
    %get3A_11 = vector.shape_cast %get3A_10 : vector<1x10000x32xf32> to vector<10000x32xf32>
    %add3A_12 = arith.addf %add3A, %get3A_11 : vector<10000x32xf32>
    %get3A_13 = arith.constant 0 : index
    %get3A_14 = arith.constant 0 : index
    %get3A_15 = vector.load %arg2[%get3A_13, %get3A_14] : memref<32x32xf32, #tpu.memory_space<vmem>>, vector<32x32xf32>
    %dot_general3A = arith.constant dense<0.000000e+00> : vector<10000x32xf32>
    %dot_general3A_16 = tpu.matmul %add3A_12, %get3A_15, %dot_general3A {dimension_numbers = #tpu.dot_dimension_numbers<[1], [0], [0], [1], [0, 0, 1, 1], [], []>, transpose_lhs_hint = false} : vector<10000x32xf32>, vector<32x32xf32>, vector<10000x32xf32> -> vector<10000x32xf32>
    %get3A_17 = arith.constant 0 : index
    %get3A_18 = arith.constant 0 : index
    %get3A_19 = vector.load %arg3[%get3A_17, %get3A_18] : memref<1x32xf32, #tpu.memory_space<vmem>>, vector<1x32xf32>
    %add3A_20 = vector.broadcast %get3A_19 : vector<1x32xf32> to vector<10000x32xf32>
    %add3A_21 = arith.addf %dot_general3A_16, %add3A_20 : vector<10000x32xf32>
    %get3A_22 = arith.constant 0 : index
    %get3A_23 = arith.constant 0 : index
    %get3A_24 = vector.load %arg4[%get3A_22, %get3A_23] : memref<1x32xf32, #tpu.memory_space<vmem>>, vector<1x32xf32>
    %get3A_25 = arith.constant 0 : index
    %get3A_26 = arith.constant 0 : index
    %get3A_27 = vector.load %arg5[%get3A_25, %get3A_26] : memref<1x32xf32, #tpu.memory_space<vmem>>, vector<1x32xf32>
    %reduce_sum3A = arith.constant dense<0.000000e+00> : vector<32xf32>
    %reduce_sum3A_28 = vector.multi_reduction <add>, %add3A_21, %reduce_sum3A [0] : vector<10000x32xf32> to vector<32xf32>
    %broadcast_in_dim3A = vector.shape_cast %reduce_sum3A_28 : vector<32xf32> to vector<1x32xf32>
    %div3A = arith.constant 1.000000e+04 : f32
    %div3A_29 = vector.broadcast %div3A : f32 to vector<1x32xf32>
    %div3A_30 = arith.divf %broadcast_in_dim3A, %div3A_29 : vector<1x32xf32>
    %jit3A = arith.constant 0 : i32
    %reduce_sum3A_31 = arith.constant dense<0.000000e+00> : vector<32xf32>
    %reduce_sum3A_32 = vector.multi_reduction <add>, %add3A_21, %reduce_sum3A_31 [0] : vector<10000x32xf32> to vector<32xf32>
    %broadcast_in_dim3A_33 = vector.shape_cast %reduce_sum3A_32 : vector<32xf32> to vector<1x32xf32>
    %div3A_34 = arith.constant 1.000000e+04 : f32
    %div3A_35 = vector.broadcast %div3A_34 : f32 to vector<1x32xf32>
    %div3A_36 = arith.divf %broadcast_in_dim3A_33, %div3A_35 : vector<1x32xf32>
    %sub3A = vector.broadcast %div3A_36 : vector<1x32xf32> to vector<10000x32xf32>
    %sub3A_37 = arith.subf %add3A_21, %sub3A : vector<10000x32xf32>
    %square3A = arith.mulf %sub3A_37, %sub3A_37 : vector<10000x32xf32>
    %convert_element_type3A = arith.sitofp %jit3A : i32 to f32
    %sub3A_38 = arith.constant 1.000000e+04 : f32
    %sub3A_39 = arith.subf %sub3A_38, %convert_element_type3A : f32
    %reduce_sum3A_40 = arith.constant dense<0.000000e+00> : vector<32xf32>
    %reduce_sum3A_41 = vector.multi_reduction <add>, %square3A, %reduce_sum3A_40 [0] : vector<10000x32xf32> to vector<32xf32>
    %broadcast_in_dim3A_42 = vector.shape_cast %reduce_sum3A_41 : vector<32xf32> to vector<1x32xf32>
    %div3A_43 = vector.broadcast %sub3A_39 : f32 to vector<1x32xf32>
    %div3A_44 = arith.divf %broadcast_in_dim3A_42, %div3A_43 : vector<1x32xf32>
    %gt3A = arith.constant 0.000000e+00 : f32
    %gt3A_45 = arith.cmpf ogt, %sub3A_39, %gt3A : f32
    %jit3A_46 = arith.constant 0x7FC00000 : f32
    %broadcast_in_dim3A_47 = vector.broadcast %jit3A_46 : f32 to vector<1x32xf32>
    %select_n3A = arith.select %gt3A_45, %div3A_44, %broadcast_in_dim3A_47 : vector<1x32xf32>
    %sub3A_48 = vector.broadcast %div3A_30 : vector<1x32xf32> to vector<10000x32xf32>
    %sub3A_49 = arith.subf %add3A_21, %sub3A_48 : vector<10000x32xf32>
    %mul3A = vector.broadcast %get3A_24 : vector<1x32xf32> to vector<10000x32xf32>
    %mul3A_50 = arith.mulf %mul3A, %sub3A_49 : vector<10000x32xf32>
    %add3A_51 = arith.constant 9.99999974E-6 : f32
    %add3A_52 = vector.broadcast %add3A_51 : f32 to vector<1x32xf32>
    %add3A_53 = arith.addf %select_n3A, %add3A_52 : vector<1x32xf32>
    %sqrt3A = math.sqrt %add3A_53 : vector<1x32xf32>
    %div3A_54 = vector.broadcast %sqrt3A : vector<1x32xf32> to vector<10000x32xf32>
    %div3A_55 = arith.divf %mul3A_50, %div3A_54 : vector<10000x32xf32>
    %add3A_56 = vector.broadcast %get3A_27 : vector<1x32xf32> to vector<10000x32xf32>
    %add3A_57 = arith.addf %div3A_55, %add3A_56 : vector<10000x32xf32>
    %max3A = arith.constant 0.000000e+00 : f32
    %max3A_58 = vector.broadcast %max3A : f32 to vector<10000x32xf32>
    %max3A_59 = arith.maximumf %add3A_57, %max3A_58 : vector<10000x32xf32>
    %get3A_60 = arith.constant 0 : index
    %get3A_61 = arith.constant 0 : index
    %get3A_62 = vector.load %arg6[%get3A_60, %get3A_61] : memref<32x1xf32, #tpu.memory_space<vmem>>, vector<32x1xf32>
    %dot_general3A_63 = arith.constant dense<0.000000e+00> : vector<10000x1xf32>
    %dot_general3A_64 = tpu.matmul %max3A_59, %get3A_62, %dot_general3A_63 {dimension_numbers = #tpu.dot_dimension_numbers<[1], [0], [0], [1], [0, 0, 1, 1], [], []>, transpose_lhs_hint = false} : vector<10000x32xf32>, vector<32x1xf32>, vector<10000x1xf32> -> vector<10000x1xf32>
    %get3A_65 = arith.constant 0 : index
    %get3A_66 = arith.constant 0 : index
    %get3A_67 = vector.load %arg7[%get3A_65, %get3A_66] : memref<1x1xf32, #tpu.memory_space<vmem>>, vector<1x1xf32>
    %add3A_68 = vector.broadcast %get3A_67 : vector<1x1xf32> to vector<10000x1xf32>
    %add3A_69 = arith.addf %dot_general3A_64, %add3A_68 : vector<10000x1xf32>
    %max3A_70 = arith.constant 0.000000e+00 : f32
    %max3A_71 = vector.broadcast %max3A_70 : f32 to vector<10000x1xf32>
    %max3A_72 = arith.maximumf %add3A_69, %max3A_71 : vector<10000x1xf32>
    %swap3A = arith.constant 0 : index
    %swap3A_73 = arith.constant 0 : index
    %swap3A_74 = vector.load %arg15[%swap3A, %swap3A_73] : memref<10000x1xf32, #tpu.memory_space<vmem>>, vector<10000x1xf32>
    tpu.vector_store %arg15[%swap3A, %swap3A_73], %max3A_72 {strides = array<i32>} : memref<10000x1xf32, #tpu.memory_space<vmem>>, vector<10000x1xf32>,
    %neg3A = arith.constant 0.000000e+00 : f32
    %neg3A_75 = vector.broadcast %neg3A : f32 to vector<10000x1xf32>
    %neg3A_76 = arith.subf %neg3A_75, %max3A_72 : vector<10000x1xf32>
    %exp3A = math.exp %neg3A_76 : vector<10000x1xf32>
    %add3A_77 = arith.constant 1.000000e+00 : f32
    %add3A_78 = vector.broadcast %add3A_77 : f32 to vector<10000x1xf32>
    %add3A_79 = arith.addf %add3A_78, %exp3A : vector<10000x1xf32>
    %div3A_80 = arith.constant 1.000000e+00 : f32
    %div3A_81 = vector.broadcast %div3A_80 : f32 to vector<10000x1xf32>
    %div3A_82 = arith.divf %div3A_81, %add3A_79 : vector<10000x1xf32>
    %get3A_83 = arith.constant 0 : index
    %get3A_84 = arith.constant 0 : index
    %get3A_85 = vector.load %arg10[%get3A_83, %get3A_84] : memref<4x32xf32, #tpu.memory_space<vmem>>, vector<4x32xf32>
    %get3A_86 = arith.constant 0 : index
    %get3A_87 = arith.constant 0 : index
    %get3A_88 = vector.load %arg8[%get3A_86, %get3A_87] : memref<10000x1xf32, #tpu.memory_space<vmem>>, vector<10000x1xf32>
    %slice3A = vector.extract_strided_slice %get3A_85 {offsets = [0, 0], sizes = [1, 32], strides = [1, 1]} : vector<4x32xf32> to vector<1x32xf32>
    %mul3A_89 = vector.broadcast %get3A_88 : vector<10000x1xf32> to vector<10000x32xf32>
    %mul3A_90 = vector.broadcast %slice3A : vector<1x32xf32> to vector<10000x32xf32>
    %mul3A_91 = arith.mulf %mul3A_89, %mul3A_90 : vector<10000x32xf32>
    %get3A_92 = arith.constant 0 : index
    %get3A_93 = arith.constant 0 : index
    %get3A_94 = vector.load %arg9[%get3A_92, %get3A_93] : memref<10000x1xf32, #tpu.memory_space<vmem>>, vector<10000x1xf32>
    %slice3A_95 = vector.extract_strided_slice %get3A_85 {offsets = [1, 0], sizes = [1, 32], strides = [1, 1]} : vector<4x32xf32> to vector<1x32xf32>
    %mul3A_96 = vector.broadcast %get3A_94 : vector<10000x1xf32> to vector<10000x32xf32>
    %mul3A_97 = vector.broadcast %slice3A_95 : vector<1x32xf32> to vector<10000x32xf32>
    %mul3A_98 = arith.mulf %mul3A_96, %mul3A_97 : vector<10000x32xf32>
    %add3A_99 = arith.addf %mul3A_91, %mul3A_98 : vector<10000x32xf32>
    %slice3A_100 = vector.extract_strided_slice %get3A_85 {offsets = [2, 0], sizes = [1, 32], strides = [1, 1]} : vector<4x32xf32> to vector<1x32xf32>
    %mul3A_101 = vector.broadcast %max3A_72 : vector<10000x1xf32> to vector<10000x32xf32>
    %mul3A_102 = vector.broadcast %slice3A_100 : vector<1x32xf32> to vector<10000x32xf32>
    %mul3A_103 = arith.mulf %mul3A_101, %mul3A_102 : vector<10000x32xf32>
    %add3A_104 = arith.addf %add3A_99, %mul3A_103 : vector<10000x32xf32>
    %slice3A_105 = vector.extract_strided_slice %get3A_85 {offsets = [3, 0], sizes = [1, 32], strides = [1, 1]} : vector<4x32xf32> to vector<1x32xf32>
    %mul3A_106 = vector.broadcast %div3A_82 : vector<10000x1xf32> to vector<10000x32xf32>
    %mul3A_107 = vector.broadcast %slice3A_105 : vector<1x32xf32> to vector<10000x32xf32>
    %mul3A_108 = arith.mulf %mul3A_106, %mul3A_107 : vector<10000x32xf32>
    %add3A_109 = arith.addf %add3A_104, %mul3A_108 : vector<10000x32xf32>
    %get3A_110 = arith.constant 0 : index
    %get3A_111 = arith.constant 0 : index
    %get3A_112 = vector.load %arg11[%get3A_110, %get3A_111] : memref<1x32xf32, #tpu.memory_space<vmem>>, vector<1x32xf32>
    %add3A_113 = vector.broadcast %get3A_112 : vector<1x32xf32> to vector<10000x32xf32>
    %add3A_114 = arith.addf %add3A_109, %add3A_113 : vector<10000x32xf32>
    %max3A_115 = arith.constant 0.000000e+00 : f32
    %max3A_116 = vector.broadcast %max3A_115 : f32 to vector<10000x32xf32>
    %max3A_117 = arith.maximumf %add3A_114, %max3A_116 : vector<10000x32xf32>
    %get3A_118 = arith.constant 0 : index
    %get3A_119 = arith.constant 0 : index
    %get3A_120 = vector.load %arg12[%get3A_118, %get3A_119] : memref<32x1xf32, #tpu.memory_space<vmem>>, vector<32x1xf32>
    %dot_general3A_121 = arith.constant dense<0.000000e+00> : vector<10000x1xf32>
    %dot_general3A_122 = tpu.matmul %max3A_117, %get3A_120, %dot_general3A_121 {dimension_numbers = #tpu.dot_dimension_numbers<[1], [0], [0], [1], [0, 0, 1, 1], [], []>, transpose_lhs_hint = false} : vector<10000x32xf32>, vector<32x1xf32>, vector<10000x1xf32> -> vector<10000x1xf32>
    %get3A_123 = arith.constant 0 : index
    %get3A_124 = arith.constant 0 : index
    %get3A_125 = vector.load %arg13[%get3A_123, %get3A_124] : memref<1x1xf32, #tpu.memory_space<vmem>>, vector<1x1xf32>
    %add3A_126 = vector.broadcast %get3A_125 : vector<1x1xf32> to vector<10000x1xf32>
    %add3A_127 = arith.addf %dot_general3A_122, %add3A_126 : vector<10000x1xf32>
    %swap3A_128 = arith.constant 0 : index
    %swap3A_129 = arith.constant 0 : index
    %swap3A_130 = vector.load %arg14[%swap3A_128, %swap3A_129] : memref<10000x1xf32, #tpu.memory_space<vmem>>, vector<10000x1xf32>
    tpu.vector_store %arg14[%swap3A_128, %swap3A_129], %add3A_127 {strides = array<i32>} : memref<10000x1xf32, #tpu.memory_space<vmem>>, vector<10000x1xf32>,
    return
  }
}

</mosaic_0001>

<sc_bundles>
// kernel: kernel.11.cloned.1.call-start
scs
__scs_entry_jumppad:
0x0: {  	(pc) =	sbr.rel $0x88, $3  }
0x1: {  	(tag) =	ssettag $0x0;
	lr =	simm.s32 $0x1  }
0x2: {  	[smem:$0x3F89] =	sst lr;
	_ =	strace $0xD0000000  }
0x3: {  	_ = 	snop  }
0x4: {  	_ = 	snop  }
0x5: {  	_ = 	snop  }
0x6: {  	_ = 	snop  }
0x7: {  	_ = 	snop  }
__scs_overlays_trampoline_lowered:
0x8: {  	[smem:$0x3F98] =	sst s0  }
0x9: {  	[smem:$0x3F99] =	sst s1  }
0xa: {  	[smem:$0x3F9A] =	sst s2  }
0xb: {  	[smem:$0x3F9B] =	sst s3  }
0xc: {  	[smem:$0x3F9C] =	sst s4  }
0xd: {  	[smem:$0x3F9D] =	sst s5  }
0xe: {  	[smem:$0x3F9E] =	sst s6  }
0xf: {  	[smem:$0x3F9F] =	sst s7  }
0x10: {  	[smem:$0x3FA0] =	sst s8  }
0x11: {  	[smem:$0x3FA1] =	sst s9;
	s0 =	simm.s32 @!p0 $0x0  }
0x12: {  	s1 =	sld [smem:$0x3F87];
	s0 =	simm.s32 @p0 $0x1  }
0x13: {  	[smem:$0x3FA2] =	sst s0;
	s0 =	simm.s32 @!p1 $0x0  }
0x14: {  	s2 =	sld [smem:$0x3F86];
	s0 =	simm.s32 @p1 $0x1  }
0x15: {  	[smem:$0x3FA3] =	sst s0;
	s0 =	simm.s32 @!p2 $0x0  }
0x16: {  	s3 =	sld [smem:$0x3FDB];
	s0 =	simm.s32 @p2 $0x1  }
0x17: {  	s4 =	simm.s32 $0x1BF5;
	[smem:$0x3FA5] =	sst s0  }
0x18: {  	s0 =	sld [smem:$0x3F88];
	_ =	swait.ge [sflag:s4], $0x0  }
0x19: {  	s7 =	sld [smem:$0x3F89]  }
0x1a: {  	s8 =	sadd.s32 $0xFFFFE003, lr  }
0x1b: {  	s9 =	sadd.s32 $0xFFFFFEF7, lr;
	s5 =	simm.s32 $0xFFFFFFFF;
	p2 =	slt.u32 s8, $0xFFFFF086  }
0x1c: {  	p1 =	slt.u32 s9, $0xF7A;
	s5 =	simm.s32 @!p2 $0x0  }
0x1d: {  	s5 =	simm.s32 @p1 $0x1;
	p0 =	seq.s32 s7, s2  }
0x1e: {  	s7 =	smul.u32 @!p0 $0xF7A, s2;
	p2 =	seq.s32 @!p0 s5, $0x0  }
0x1f: {  	s9 =	smul.u32 $0xF7A, s1;
	s8 =	simm.s32 @!p0 $0x1BF5;
	p2 =	por !p2, p0  }
0x20: {  	[sflag:s8] =	ssyncset.s32 @!p0 $0xFFFFF086;
	s6 =	sadd.s32 @!p0 s3, s7;
	s7 =	simm.s32 @!p0 $0x108  }
0x21: {  	s3 =	sadd.s32 s3, s9;
	s6 =	sadd.s32 @!p0 $0x88, s6;
	s7 =	simm.s32 @p2 $0x1082  }
0x22: {  	[simem:s7], [sflag:s8] =	dma.local @!p0 [hbm:s6], $0xF7A  }
0x23: {  	s9 =	sor.u32 $0xD0000000, s2;
	s6 =	simm.s32 $0x108;
	_ =	swait.ge @!p0 [sflag:s8], $0x0  }
0x24: {  	s3 =	sadd.s32 $0x88, s3;
	s6 =	simm.s32 @!p1 $0x1082;
	[sflag:s4] =	ssyncset.s32 $0xFFFFF086  }
0x25: {  	[simem:s6], [sflag:s4] =	dma.local [hbm:s3], $0xF7A  }
0x26: {  	[smem:$0x3F89] =	sst s1;
	(tag) =	ssettag s2;
	_ =	strace s9  }
0x27: {  	s1 =	sld [smem:$0x3F99]  }
0x28: {  	s2 =	sld [smem:$0x3F9A]  }
0x29: {  	s4 =	sld [smem:$0x3F9C]  }
0x2a: {  	p0 =	seq.s32 s5, $0x0;
	s5 =	sld [smem:$0x3F9D]  }
0x2b: {  	s6 =	sld [smem:$0x3F9E]  }
0x2c: {  	s7 =	sld [smem:$0x3F9F]  }
0x2d: {  	s3 =	simm.s32 $0x108;
	s8 =	sld [smem:$0x3FA0]  }
0x2e: {  	s3 =	simm.s32 @!p0 $0x1082;
	s9 =	sld [smem:$0x3FA1]  }
0x2f: {  	lr =	sadd.s32 s0, s3;
	s0 =	sld [smem:$0x3F98]  }
0x30: {  	s3 =	sld [smem:$0x3F9B]  }
0x31: {  	[smem:$0x3FA4] =	sst s10  }
0x32: {  	s10 =	sld [smem:$0x3FA2];
	_ =	sdelay $0x3  }
0x33: {  	p0 =	seq.s32 s10, $0x1;
	s10 =	sld [smem:$0x3FA4];
	_ =	sdelay $0x3  }
0x34: {  	[smem:$0x3FA4] =	sst s10  }
0x35: {  	s10 =	sld [smem:$0x3FA3];
	_ =	sdelay $0x3  }
0x36: {  	p1 =	seq.s32 s10, $0x1;
	s10 =	sld [smem:$0x3FA4];
	_ =	sdelay $0x3  }
0x37: {  	[smem:$0x3FA4] =	sst s10  }
0x38: {  	s10 =	sld [smem:$0x3FA5]  }
0x39: {  	_ = 	snop;
	(pc) =	sbr.ind lr, $3  }
0x3a: {  	_ = 	snop  }
0x3b: {  	_ = 	snop  }
0x3c: {  	p2 =	seq.s32 s10, $0x1;
	s10 =	sld [smem:$0x3FA4]  }
0x3d: {  	_ =	shalt  }
0x3e: {  	_ =	shalt  }
0x3f: {  	_ =	shalt  }
0x40: {  	_ =	shalt  }
0x41: {  	_ =	shalt  }
0x42: {  	_ =	shalt  }
0x43: {  	_ =	shalt  }
0x44: {  	_ =	shalt  }
0x45: {  	_ =	shalt  }
0x46: {  	_ =	shalt  }
0x47: {  	_ =	shalt  }
0x48: {  	_ =	shalt  }
0x49: {  	_ =	shalt  }
0x4a: {  	_ =	shalt  }
0x4b: {  	_ =	shalt  }
0x4c: {  	_ =	shalt  }
0x4d: {  	_ =	shalt  }
0x4e: {  	_ =	shalt  }
0x4f: {  	_ =	shalt  }
0x50: {  	_ =	shalt  }
0x51: {  	_ =	shalt  }
0x52: {  	_ =	shalt  }
0x53: {  	_ =	shalt  }
0x54: {  	_ =	shalt  }
0x55: {  	_ =	shalt  }
0x56: {  	_ =	shalt  }
0x57: {  	_ =	shalt  }
0x58: {  	_ =	shalt  }
0x59: {  	_ =	shalt  }
0x5a: {  	_ =	shalt  }
0x5b: {  	_ =	shalt  }
0x5c: {  	_ =	shalt  }
0x5d: {  	_ =	shalt  }
0x5e: {  	_ =	shalt  }
0x5f: {  	_ =	shalt  }
0x60: {  	_ =	shalt  }
0x61: {  	_ =	shalt  }
0x62: {  	_ =	shalt  }
0x63: {  	_ =	shalt  }
0x64: {  	_ =	shalt  }
0x65: {  	_ =	shalt  }
0x66: {  	_ =	shalt  }
0x67: {  	_ =	shalt  }
0x68: {  	_ =	shalt  }
0x69: {  	_ =	shalt  }
0x6a: {  	_ =	shalt  }
0x6b: {  	_ =	shalt  }
0x6c: {  	_ =	shalt  }
0x6d: {  	_ =	shalt  }
0x6e: {  	_ =	shalt  }
0x6f: {  	_ =	shalt  }
0x70: {  	_ =	shalt  }
0x71: {  	_ =	shalt  }
0x72: {  	_ =	shalt  }
0x73: {  	_ =	shalt  }
0x74: {  	_ =	shalt  }
0x75: {  	_ =	shalt  }
0x76: {  	_ =	shalt  }
0x77: {  	_ =	shalt  }
0x78: {  	_ =	shalt  }
0x79: {  	_ =	shalt  }
0x7a: {  	_ =	shalt  }
0x7b: {  	_ =	shalt  }
0x7c: {  	_ =	shalt  }
0x7d: {  	_ =	shalt  }
0x7e: {  	_ =	shalt  }
0x7f: {  	_ =	shalt  }
0x80: {  	_ =	shalt  }
0x81: {  	_ =	shalt  }
0x82: {  	_ =	shalt  }
0x83: {  	_ =	shalt  }
0x84: {  	_ =	shalt  }
0x85: {  	_ =	shalt  }
0x86: {  	_ =	shalt  }
0x87: {  	_ =	shalt  }
.Lfunc_end0:
.L_simem_size_0:
called_computation.1_lowered:
.L_overlay_start_0:
0x88: {  	s2 =	sld [smem:$0x3FD9]  }
0x89: {  	s3 =	sld [smem:$0x3FFE];
	_ =	sdelay $0x1  }
0x8a: {  	s1 =	srdreg.scid  }
0x8b: {  	s0 =	sand.u32 $0x1, s1  }
0x8c: {  	s16 =	sshll.u32 s0, $0xA;
	s2 =	sadd.s32 s3, s2  }
0x8d: {  	s2 =	sadd.s32 s2, s16  }
0x8e: {  	[smem:$0x3FB0] =	sst s2  }
0x8f: {  	_ = 	snop  }
0x90: {  	(tm) =	ssettm $0x1  }
0x91: {  	s17 =	sld [smem:$0x3FFB];
	_ =	sdelay $0x3  }
0x92: {  	_ =	strace s17  }
0x93: {  	s2 =	sld [smem:$0x3FFC];
	_ =	sdelay $0x3  }
0x94: {  	_ =	strace s2  }
0x95: {  	s2 =	sld [smem:$0x3FFD];
	_ =	sdelay $0x3  }
0x96: {  	_ =	strace s2  }
0x97: {  	_ =	strace $0x8FFFFFFF  }
0x98: {  	s18 =	sld [smem:$0x3FDB];
	_ =	sdelay $0x1  }
0x99: {  	s19 =	simm.s32 $_scs_section_size  }
0x9a: {  	s4 =	simm.s32 $_size__tile_overlayer_lowered;
	s5 =	simm.s32 $_tile_overlayer_lowered  }
0x9b: {  	s22 =	simm.s32 $0x1BFF;
	s21 =	sshll.u32 s5, $0x1;
	s2 =	sadd.s32 s19, s18  }
0x9c: {  	s6 =	simm.s32 $0x0;
	s20 =	sshll.u32 s4, $0x1;
	s4 =	sadd.s32 s21, s2  }
0x9d: {  	[timem:s6], [sflag:s22] =	dma.local [hbm:s4], s20  }
0x9e: {  	_ =	swait.ge [sflag:s22], s20  }
0x9f: {  	s3 =	ssub.s32 $0x0, s20;
	[sflag:s22] =	ssyncset.done $0x0  }
0xa0: {  	[sflag:s22] =	ssyncadd.s32 s3;
	_ =	sdelay $0x1  }
0xa1: {  	s23 =	simm.s32 $0x1B8B  }
0xa2: {  	_ =	swait.ge [sflag:s23], $0x1  }
0xa3: {  	[sflag:s23] =	ssyncset.done $0x0  }
0xa4: {  	s25 =	simm.s32 $0x1B8E;
	s24 =	sld [smem:$0x3FFE];
	[sflag:s23] =	ssyncadd.s32 $0xFFFFFFFF  }
0xa5: {  	s26 =	simm.s32 $execute0_lowered;
	[smem:$0x3FD2] =	sst s25  }
0xa6: {  	s4 =	sshll.u32 s26, $0x1;
	_ =	strace $0x80000049;
	[dreg:$0x1] =	wrdreg $0xFFFFFFFF  }
0xa7: {  	s28 =	simm.s32 $_size_execute0_lowered;
	s2 =	sadd.s32 s2, s4;
	[dreg:$0x0] =	wrdreg $0x0  }
0xa8: {  	s4 =	sshll.u32 s28, $0x1;
	[dreg:$0x2] =	wrdreg s2  }
0xa9: {  	[dreg:$0x3] =	wrdreg s4  }
0xaa: {  	[dreg:$0x4] =	wrdreg $0xC0  }
0xab: {  	_ =	task [dreg:s6], $0x5FFFF  }
0xac: {  	[dreg:$0x1] =	wrdreg $0xFFFFFFFF  }
0xad: {  	[dreg:$0x0] =	wrdreg $0x60  }
0xae: {  	[dreg:$0x2] =	wrdreg s24  }
0xaf: {  	[dreg:$0x3] =	wrdreg $0x62200  }
0xb0: {  	[dreg:$0x4] =	wrdreg $0x9  }
0xb1: {  	_ =	task.clear_ibuf [dreg:s6], $0x5FFFF;
	_ =	strace $0x90000049  }
0xb2: {  	s29 =	simm.s32 $0x9;
	_ =	strace $0x8000004B  }
0xb3: {  	_ =	swait.ge [sflag:s29], $0x1  }
0xb4: {  	[sflag:s29] =	ssyncadd.s32 $0xFFFFFFFF  }
0xb5: {  	_ =	strace $0x9000004B  }
0xb6: {  	_ =	sfence  }
0xb7: {  	s30 =	sld [smem:$0x0];
	_ =	sdelay $0x2  }
0xb8: {  	s31 =	sshll.u32 s1, $0xD;
	s1 =	sshrl.u32 s1, $0x2  }
0xb9: {  	s3 =	sand.u32 $0x4000, s31;
	s1 =	sadd.s32 s1, s30  }
0xba: {  	s0 =	sor.u32 s3, s0;
	s1 =	sshll.u32 s1, $0x11  }
0xbb: {  	s0 =	sor.u32 s1, s0  }
0xbc: {  	s0 =	sadd.s32 $0x8F2B, s0  }
0xbd: {  	[sflag:s0] =	ssyncadd.remote.s32 $0x1  }
0xbe: {  	_ =	sfence.sel $0xFFFF  }
0xbf: {  	[dreg:$0x0] =	wrdreg $0xFFFFFFFF;
	(pc) =	sbr.abs _section_cstart, $3  }
0xc0: {  	[dreg:$0x1] =	wrdreg $0xFFFFFFFF  }
0xc1: {  	_ =	task.clear_ibuf [dreg:s6], $0x2FFFF;
	_ =	strace $0x9FFFFFFF  }
0xc2: {  	(tm) =	ssettm $0x7FFFFFFF  }
0xc3: {  	_ =	shalt  }
tec
execute0_lowered:
.L_overlay_start_1:
0x0: {  	(tag) =	ssettag $0x1  }
0x1: {  	s6 =	rddreg [dreg:$0x0]  }
0x2: {  	s0 =	srdreg.scid;
	s2 =	rddreg [dreg:$0x1]  }
0x3: {  	s3 =	simm.s32 $0x0;
	s14 =	simm.s32 $0x50;
	s15 =	simm.s32 $0x4E20  }
0x4: {  	s16 =	simm.s32 $0x5820;
	s17 =	simm.s32 $0x1;
	s18 =	simm.s32 $0x2  }
0x5: {  	s19 =	simm.s32 $0x4DD0;
	s5 =	sand.u32 $0x1, s0;
	s0 =	stileid.u32  }
0x6: {  	s20 =	simm.s32 $0x0;
	[smem:$0x7FF] =	sst s3;
	s8 =	smul.u32 $0x4F00, s0  }
0x7: {  	s4 =	sadd.s32 $0x3F400, s6;
	s1 =	sshll.u32 s5, $0x4;
	s9 =	smul.u32 $0x4F000, s5  }
0x8: {  	s5 =	ssub.s32 $0x2, s5;
	s31 =	sshll.u32 s0, $0x6;
	s1 =	sor.u32 s0, s1  }
0x9: {  	s11 =	sshrl.u32 s5, $0x1;
	s7 =	smul.u32 $0x4E2, s1;
	s1 =	rddreg [dreg:$0x2]  }
0xa: {  	_ =	strace $0x8000004A;
	s29 =	sadd.s32 s8, s9;
	s30 =	sshrl.u32 s8, $0x3  }
0xb: {  	s11 =	ssub.s32 s5, s11;
	s13 =	sadd.s32 s8, s2;
	s9 =	sadd.s32 s30, s6  }
0xc: {  	s10 =	sadd.s32 s7, s6;
	s7 =	sshrl.u32 s29, $0x3;
	s5 =	sadd.s32 $0x49200, s9  }
0xd: {  	s12 =	sadd.s32 s7, s6;
	s6 =	sor.u32 $0x1C03, s31;
	s7 =	sadd.s32 $0xE400, s10  }
0xe: {  	s8 =	sadd.s32 $0x4600, s10;
	s10 =	smax.u32 s11, $0x1;
	s11 =	sshrl.u32 s13, $0x3  }
0xf: {  	s13 =	simm.s32 $0x2710;
	s9 =	sadd.s32 $0x53000, s12;
	s12 =	simm.s32 $0x3  }
.LBB2_1:
0x10: {  	[spmem:s11], [sflag:s6] =	dma.local [hbm:s5], $0x9E0  }
0x11: {  	_ =	swait.ge [sflag:s12], $0x9E0  }
0x12: {  	[sflag:s12] =	ssyncset.done $0x0  }
0x13: {  	[sflag:s12] =	ssyncadd.s32 $0xFFFFF620  }
0x14: {  	[tilespmem:s3], [sflag:$0x3] =	stream.linear.gather [hbm4b:s7+s3], $0x2710, $0x38;
	[tilespmem:$0xB120] =	vst v63  }
0x15: {  	_ =	swait.ge [sflag:s12], $0x2710  }
0x16: {  	[sflag:s12] =	ssyncset.done $0x0  }
0x17: {  	[sflag:s12] =	ssyncadd.s32 $0xFFFFD8F0  }
0x18: {  	[tilespmem:s13], [sflag:$0x3] =	stream.linear.gather [hbm4b:s8+s3], $0x2710, $0x38;
	[tilespmem:$0xB120] =	vst v63  }
0x19: {  	_ =	swait.ge [sflag:s12], $0x2710  }
0x1a: {  	[sflag:s12] =	ssyncset.done $0x0  }
0x1b: {  	[sflag:s12] =	ssyncadd.s32 $0xFFFFD8F0  }
0x1c: {  	[bflag:$0x0] =	sbarrier.arrive $0xFFFF  }
0x1d: {  	[tilespmem:s15], [sflag:$0x1] =	stream.indirect.gather [hbm4b:s4+s14], $0x20, s3, s14, $0xb8;
	[tilespmem:$0xB120] =	vst v63  }
0x1e: {  	s21 =	simm.s32 $0x50  }
0x1f: {  	[tilespmem:s16], [sflag:$0x2] =	stream.indirect.gather [hbm4b:s4+s14], $0x20, s21, s14, $0xb8;
	[tilespmem:$0xB120] =	vst v63  }
0x20: {  	_ =	swait.ge [sflag:s17], $0xA00  }
0x21: {  	[sflag:s17] =	ssyncset.done $0x0  }
0x22: {  	s29 =	simm.s32 $0x2710;
	[sflag:s17] =	ssyncadd.s32 $0xFFFFF600  }
0x23: {  	[spmem:s2] =	stream.indirect.scatter.add.f32 [tilespmem:s15], [sflag:$0x3], $0x20, s29, s14, $0xb8;
	[tilespmem:$0xB120] =	vst v63  }
0x24: {  	_ =	swait.ge [sflag:s12], $0xA00  }
0x25: {  	[sflag:s12] =	ssyncset.done $0x0  }
0x26: {  	s30 =	simm.s32 $0xA0;
	[sflag:s12] =	ssyncadd.s32 $0xFFFFF600  }
0x27: {  	[tilespmem:s15], [sflag:$0x1] =	stream.indirect.gather [hbm4b:s4+s14], $0x20, s30, s14, $0xb8;
	[tilespmem:$0xB120] =	vst v63  }
0x28: {  	_ =	swait.ge [sflag:s18], $0xA00  }
0x29: {  	[sflag:s18] =	ssyncset.done $0x0  }
0x2a: {  	s31 =	simm.s32 $0x2760;
	[sflag:s18] =	ssyncadd.s32 $0xFFFFF600  }
0x2b: {  	[spmem:s2] =	stream.indirect.scatter.add.f32 [tilespmem:s16], [sflag:$0x3], $0x20, s31, s14, $0xb8;
	[tilespmem:$0xB120] =	vst v63  }
0x2c: {  	_ =	swait.ge [sflag:s12], $0xA00  }
0x2d: {  	s22 =	simm.s32 $0x500;
	s21 =	simm.s32 $0xA0;
	[sflag:s12] =	ssyncset.done $0x0  }
.LBB2_2:
0x2e: {  	s23 =	sadd.s32 $0x50, s21  }
0x2f: {  	[sflag:s12] =	ssyncadd.s32 $0xFFFFF600;
	s24 =	smov.u32 s22;
	s25 =	sadd.s32 $0x280, s22  }
0x30: {  	[tilespmem:s16], [sflag:$0x2] =	stream.indirect.gather [hbm4b:s4+s14], $0x20, s23, s14, $0xb8;
	[tilespmem:$0xB120] =	vst v63  }
0x31: {  	p0 =	sne.s32 s22, $0x9880;
	_ =	swait.ge [sflag:s17], $0xA00  }
0x32: {  	[sflag:s17] =	ssyncset.done $0x0  }
0x33: {  	s22 =	sadd.s32 $0x2710, s21;
	[sflag:s17] =	ssyncadd.s32 $0xFFFFF600  }
0x34: {  	[spmem:s2] =	stream.indirect.scatter.add.f32 [tilespmem:s15], [sflag:$0x3], $0x20, s22, s14, $0xb8;
	[tilespmem:$0xB120] =	vst v63  }
0x35: {  	_ =	swait.ge [sflag:s12], $0xA00  }
0x36: {  	[sflag:s12] =	ssyncset.done $0x0  }
0x37: {  	s22 =	sadd.s32 $0xA0, s21;
	[sflag:s12] =	ssyncadd.s32 $0xFFFFF600  }
0x38: {  	[tilespmem:s15], [sflag:$0x1] =	stream.indirect.gather [hbm4b:s4+s14], $0x20, s22, s14, $0xb8;
	[tilespmem:$0xB120] =	vst v63  }
0x39: {  	_ =	swait.ge [sflag:s18], $0xA00  }
.Ltmp0:
0x3a: {  	[sflag:s18] =	ssyncset.done $0x0;
	(pc) =	sbr.rel @p0 .LBB2_2-.Ltmp0, $4  }
0x3b: {  	s21 =	sadd.s32 $0x2760, s21;
	[sflag:s18] =	ssyncadd.s32 $0xFFFFF600  }
0x3c: {  	[spmem:s2] =	stream.indirect.scatter.add.f32 [tilespmem:s16], [sflag:$0x3], $0x20, s21, s14, $0xb8;
	[tilespmem:$0xB120] =	vst v63  }
0x3d: {  	_ =	swait.ge [sflag:s12], $0xA00  }
0x3e: {  	s22 =	smov.u32 s25;
	s21 =	sshra.s32 s24, $0x2;
	[sflag:s12] =	ssyncset.done $0x0  }
0x3f: {  	s22 =	sadd.s32 $0x50, s21;
	[sflag:s12] =	ssyncadd.s32 $0xFFFFF600  }
0x40: {  	[tilespmem:s16], [sflag:$0x2] =	stream.indirect.gather [hbm4b:s4+s14], $0x20, s22, s14, $0xb8;
	[tilespmem:$0xB120] =	vst v63  }
0x41: {  	_ =	swait.ge [sflag:s17], $0xA00  }
0x42: {  	[sflag:s17] =	ssyncset.done $0x0  }
0x43: {  	s29 =	sadd.s32 $0x2710, s21;
	[sflag:s17] =	ssyncadd.s32 $0xFFFFF600  }
0x44: {  	[spmem:s2] =	stream.indirect.scatter.add.f32 [tilespmem:s15], [sflag:$0x3], $0x20, s29, s14, $0xb8;
	[tilespmem:$0xB120] =	vst v63  }
0x45: {  	_ =	swait.ge [sflag:s12], $0xA00  }
0x46: {  	[sflag:s12] =	ssyncset.done $0x0  }
0x47: {  	s30 =	sadd.s32 $0xA0, s21;
	[sflag:s12] =	ssyncadd.s32 $0xFFFFF600  }
0x48: {  	[tilespmem:s15], [sflag:$0x1] =	stream.indirect.gather [hbm4b:s4+s14], $0x20, s30, s14, $0xb8;
	[tilespmem:$0xB120] =	vst v63  }
0x49: {  	_ =	swait.ge [sflag:s18], $0xA00  }
0x4a: {  	[sflag:s18] =	ssyncset.done $0x0  }
0x4b: {  	s31 =	sadd.s32 $0x2760, s21;
	[sflag:s18] =	ssyncadd.s32 $0xFFFFF600  }
0x4c: {  	[spmem:s2] =	stream.indirect.scatter.add.f32 [tilespmem:s16], [sflag:$0x3], $0x20, s31, s14, $0xb8;
	[tilespmem:$0xB120] =	vst v63  }
0x4d: {  	_ =	swait.ge [sflag:s12], $0xA00  }
0x4e: {  	[sflag:s12] =	ssyncset.done $0x0  }
0x4f: {  	[sflag:s12] =	ssyncadd.s32 $0xFFFFF600  }
0x50: {  	_ =	swait.ge [sflag:s17], $0xA00  }
0x51: {  	[sflag:s17] =	ssyncset.done $0x0  }
0x52: {  	[sflag:s17] =	ssyncadd.s32 $0xFFFFF600  }
0x53: {  	[spmem:s2] =	stream.indirect.scatter.add.f32 [tilespmem:s15], [sflag:$0x3], $0x20, s19, s14, $0xb8;
	[tilespmem:$0xB120] =	vst v63  }
0x54: {  	_ =	swait.ge [sflag:s12], $0xA00  }
0x55: {  	s20 =	sadd.s32 $0x1, s20;
	[sflag:s12] =	ssyncset.done $0x0  }
0x56: {  	p0 =	sne.s32 s20, s10;
	[sflag:s12] =	ssyncadd.s32 $0xFFFFF600  }
.Ltmp1:
0x57: {  	[bflag:$0x0] =	sbarrier.arrive $0xFFFF;
	(pc) =	sbr.rel @p0 .LBB2_1-.Ltmp1, $4  }
0x58: {  	[hbm:s9], [sflag:s6] =	dma.local [spmem:s11], $0x9E0  }
0x59: {  	_ =	swait.ge [sflag:s12], $0x9E0  }
0x5a: {  	[sflag:s12] =	ssyncset.done $0x0  }
0x5b: {  	[sflag:s12] =	ssyncadd.s32 $0xFFFFF620  }
0x5c: {  	_ =	sfence.sel $0x180000  }
0x5d: {  	[bflag:$0x0] =	sbarrier.arrive $0xFFFF  }
0x5e: {  	p0 =	sne.s32 s0, $0x0;
	_ =	strace $0x9000004A  }
0x5f: {  	s0 =	sadd.s32 @!p0 $0x100000, s1;
	[bflag:$0x2] =	sbarrier.arrive $0xFFFF  }
0x60: {  	[sflag:s0] =	ssyncadd.tile.s32 @!p0 $0x1;
	_ =	shalt  }
.Lfunc_end2:
_tile_overlayer_lowered:
.L_overlay_start_2:
0x61: {  	(tag) =	ssettag $0x2  }
0x62: {  	s0 =	rddreg [dreg:$0x0];
	s2 =	stileid.u32  }
0x63: {  	s1 =	rddreg [dreg:$0x1];
	p0 =	sne.s32 s2, $0x0  }
0x64: {  	s3 =	rddreg [dreg:$0x2];
	[bflag:$0x3] =	sbarrier.arrive $0xFFFF;
	s2 =	simm.s32 @!p0 $0x1C03  }
0x65: {  	[timem:s3], [sflag:s2] =	dma.local @!p0 [hbm:s0], s1  }
0x66: {  	s0 =	simm.s32 @!p0 $0x3  }
0x67: {  	_ =	swait.ge @!p0 [sflag:s0], s1  }
0x68: {  	s1 =	ssub.s32 @!p0 $0x0, s1;
	[sflag:s0] =	ssyncset.done @!p0 $0x0  }
0x69: {  	[sflag:s0] =	ssyncadd.s32 @!p0 s1  }
0x6a: {  	[bflag:$0x3] =	sbarrier.arrive $0xFFFF  }
0x6b: {  	_ =	shalt  }

// kernel: kernel.14.cloned.1.call-start
scs
__scs_entry_jumppad:
0x0: {  	(pc) =	sbr.rel $0x88, $3  }
0x1: {  	(tag) =	ssettag $0x0;
	lr =	simm.s32 $0x1  }
0x2: {  	[smem:$0x3F89] =	sst lr;
	_ =	strace $0xD0000000  }
0x3: {  	_ = 	snop  }
0x4: {  	_ = 	snop  }
0x5: {  	_ = 	snop  }
0x6: {  	_ = 	snop  }
0x7: {  	_ = 	snop  }
__scs_overlays_trampoline_lowered:
0x8: {  	[smem:$0x3F98] =	sst s0  }
0x9: {  	[smem:$0x3F99] =	sst s1  }
0xa: {  	[smem:$0x3F9A] =	sst s2  }
0xb: {  	[smem:$0x3F9B] =	sst s3  }
0xc: {  	[smem:$0x3F9C] =	sst s4  }
0xd: {  	[smem:$0x3F9D] =	sst s5  }
0xe: {  	[smem:$0x3F9E] =	sst s6  }
0xf: {  	[smem:$0x3F9F] =	sst s7  }
0x10: {  	[smem:$0x3FA0] =	sst s8  }
0x11: {  	[smem:$0x3FA1] =	sst s9;
	s0 =	simm.s32 @!p0 $0x0  }
0x12: {  	s1 =	sld [smem:$0x3F87];
	s0 =	simm.s32 @p0 $0x1  }
0x13: {  	[smem:$0x3FA2] =	sst s0;
	s0 =	simm.s32 @!p1 $0x0  }
0x14: {  	s2 =	sld [smem:$0x3F86];
	s0 =	simm.s32 @p1 $0x1  }
0x15: {  	[smem:$0x3FA3] =	sst s0;
	s0 =	simm.s32 @!p2 $0x0  }
0x16: {  	s3 =	sld [smem:$0x3FDB];
	s0 =	simm.s32 @p2 $0x1  }
0x17: {  	s4 =	simm.s32 $0x1BF5;
	[smem:$0x3FA5] =	sst s0  }
0x18: {  	s0 =	sld [smem:$0x3F88];
	_ =	swait.ge [sflag:s4], $0x0  }
0x19: {  	s7 =	sld [smem:$0x3F89]  }
0x1a: {  	s8 =	sadd.s32 $0xFFFFE003, lr  }
0x1b: {  	s9 =	sadd.s32 $0xFFFFFEF7, lr;
	s5 =	simm.s32 $0xFFFFFFFF;
	p2 =	slt.u32 s8, $0xFFFFF086  }
0x1c: {  	p1 =	slt.u32 s9, $0xF7A;
	s5 =	simm.s32 @!p2 $0x0  }
0x1d: {  	s5 =	simm.s32 @p1 $0x1;
	p0 =	seq.s32 s7, s2  }
0x1e: {  	s7 =	smul.u32 @!p0 $0xF7A, s2;
	p2 =	seq.s32 @!p0 s5, $0x0  }
0x1f: {  	s9 =	smul.u32 $0xF7A, s1;
	s8 =	simm.s32 @!p0 $0x1BF5;
	p2 =	por !p2, p0  }
0x20: {  	[sflag:s8] =	ssyncset.s32 @!p0 $0xFFFFF086;
	s6 =	sadd.s32 @!p0 s3, s7;
	s7 =	simm.s32 @!p0 $0x108  }
0x21: {  	s3 =	sadd.s32 s3, s9;
	s6 =	sadd.s32 @!p0 $0x88, s6;
	s7 =	simm.s32 @p2 $0x1082  }
0x22: {  	[simem:s7], [sflag:s8] =	dma.local @!p0 [hbm:s6], $0xF7A  }
0x23: {  	s9 =	sor.u32 $0xD0000000, s2;
	s6 =	simm.s32 $0x108;
	_ =	swait.ge @!p0 [sflag:s8], $0x0  }
0x24: {  	s3 =	sadd.s32 $0x88, s3;
	s6 =	simm.s32 @!p1 $0x1082;
	[sflag:s4] =	ssyncset.s32 $0xFFFFF086  }
0x25: {  	[simem:s6], [sflag:s4] =	dma.local [hbm:s3], $0xF7A  }
0x26: {  	[smem:$0x3F89] =	sst s1;
	(tag) =	ssettag s2;
	_ =	strace s9  }
0x27: {  	s1 =	sld [smem:$0x3F99]  }
0x28: {  	s2 =	sld [smem:$0x3F9A]  }
0x29: {  	s4 =	sld [smem:$0x3F9C]  }
0x2a: {  	p0 =	seq.s32 s5, $0x0;
	s5 =	sld [smem:$0x3F9D]  }
0x2b: {  	s6 =	sld [smem:$0x3F9E]  }
0x2c: {  	s7 =	sld [smem:$0x3F9F]  }
0x2d: {  	s3 =	simm.s32 $0x108;
	s8 =	sld [smem:$0x3FA0]  }
0x2e: {  	s3 =	simm.s32 @!p0 $0x1082;
	s9 =	sld [smem:$0x3FA1]  }
0x2f: {  	lr =	sadd.s32 s0, s3;
	s0 =	sld [smem:$0x3F98]  }
0x30: {  	s3 =	sld [smem:$0x3F9B]  }
0x31: {  	[smem:$0x3FA4] =	sst s10  }
0x32: {  	s10 =	sld [smem:$0x3FA2];
	_ =	sdelay $0x3  }
0x33: {  	p0 =	seq.s32 s10, $0x1;
	s10 =	sld [smem:$0x3FA4];
	_ =	sdelay $0x3  }
0x34: {  	[smem:$0x3FA4] =	sst s10  }
0x35: {  	s10 =	sld [smem:$0x3FA3];
	_ =	sdelay $0x3  }
0x36: {  	p1 =	seq.s32 s10, $0x1;
	s10 =	sld [smem:$0x3FA4];
	_ =	sdelay $0x3  }
0x37: {  	[smem:$0x3FA4] =	sst s10  }
0x38: {  	s10 =	sld [smem:$0x3FA5]  }
0x39: {  	_ = 	snop;
	(pc) =	sbr.ind lr, $3  }
0x3a: {  	_ = 	snop  }
0x3b: {  	_ = 	snop  }
0x3c: {  	p2 =	seq.s32 s10, $0x1;
	s10 =	sld [smem:$0x3FA4]  }
0x3d: {  	_ =	shalt  }
0x3e: {  	_ =	shalt  }
0x3f: {  	_ =	shalt  }
0x40: {  	_ =	shalt  }
0x41: {  	_ =	shalt  }
0x42: {  	_ =	shalt  }
0x43: {  	_ =	shalt  }
0x44: {  	_ =	shalt  }
0x45: {  	_ =	shalt  }
0x46: {  	_ =	shalt  }
0x47: {  	_ =	shalt  }
0x48: {  	_ =	shalt  }
0x49: {  	_ =	shalt  }
0x4a: {  	_ =	shalt  }
0x4b: {  	_ =	shalt  }
0x4c: {  	_ =	shalt  }
0x4d: {  	_ =	shalt  }
0x4e: {  	_ =	shalt  }
0x4f: {  	_ =	shalt  }
0x50: {  	_ =	shalt  }
0x51: {  	_ =	shalt  }
0x52: {  	_ =	shalt  }
0x53: {  	_ =	shalt  }
0x54: {  	_ =	shalt  }
0x55: {  	_ =	shalt  }
0x56: {  	_ =	shalt  }
0x57: {  	_ =	shalt  }
0x58: {  	_ =	shalt  }
0x59: {  	_ =	shalt  }
0x5a: {  	_ =	shalt  }
0x5b: {  	_ =	shalt  }
0x5c: {  	_ =	shalt  }
0x5d: {  	_ =	shalt  }
0x5e: {  	_ =	shalt  }
0x5f: {  	_ =	shalt  }
0x60: {  	_ =	shalt  }
0x61: {  	_ =	shalt  }
0x62: {  	_ =	shalt  }
0x63: {  	_ =	shalt  }
0x64: {  	_ =	shalt  }
0x65: {  	_ =	shalt  }
0x66: {  	_ =	shalt  }
0x67: {  	_ =	shalt  }
0x68: {  	_ =	shalt  }
0x69: {  	_ =	shalt  }
0x6a: {  	_ =	shalt  }
0x6b: {  	_ =	shalt  }
0x6c: {  	_ =	shalt  }
0x6d: {  	_ =	shalt  }
0x6e: {  	_ =	shalt  }
0x6f: {  	_ =	shalt  }
0x70: {  	_ =	shalt  }
0x71: {  	_ =	shalt  }
0x72: {  	_ =	shalt  }
0x73: {  	_ =	shalt  }
0x74: {  	_ =	shalt  }
0x75: {  	_ =	shalt  }
0x76: {  	_ =	shalt  }
0x77: {  	_ =	shalt  }
0x78: {  	_ =	shalt  }
0x79: {  	_ =	shalt  }
0x7a: {  	_ =	shalt  }
0x7b: {  	_ =	shalt  }
0x7c: {  	_ =	shalt  }
0x7d: {  	_ =	shalt  }
0x7e: {  	_ =	shalt  }
0x7f: {  	_ =	shalt  }
0x80: {  	_ =	shalt  }
0x81: {  	_ =	shalt  }
0x82: {  	_ =	shalt  }
0x83: {  	_ =	shalt  }
0x84: {  	_ =	shalt  }
0x85: {  	_ =	shalt  }
0x86: {  	_ =	shalt  }
0x87: {  	_ =	shalt  }
.Lfunc_end0:
.L_simem_size_0:
called_computation.2_lowered:
.L_overlay_start_0:
0x88: {  	s2 =	sld [smem:$0x3FD9]  }
0x89: {  	s3 =	sld [smem:$0x3FFE];
	_ =	sdelay $0x1  }
0x8a: {  	s1 =	srdreg.scid  }
0x8b: {  	s0 =	sand.u32 $0x1, s1  }
0x8c: {  	s16 =	sshll.u32 s0, $0xA;
	s2 =	sadd.s32 s3, s2  }
0x8d: {  	s2 =	sadd.s32 s2, s16  }
0x8e: {  	[smem:$0x3FB0] =	sst s2  }
0x8f: {  	_ = 	snop  }
0x90: {  	(tm) =	ssettm $0x1  }
0x91: {  	s17 =	sld [smem:$0x3FFB];
	_ =	sdelay $0x3  }
0x92: {  	_ =	strace s17  }
0x93: {  	s2 =	sld [smem:$0x3FFC];
	_ =	sdelay $0x3  }
0x94: {  	_ =	strace s2  }
0x95: {  	s2 =	sld [smem:$0x3FFD];
	_ =	sdelay $0x3  }
0x96: {  	_ =	strace s2  }
0x97: {  	_ =	strace $0x8FFFFFFF  }
0x98: {  	s18 =	sld [smem:$0x3FDB];
	_ =	sdelay $0x1  }
0x99: {  	s19 =	simm.s32 $_scs_section_size  }
0x9a: {  	s4 =	simm.s32 $_size__tile_overlayer_lowered;
	s5 =	simm.s32 $_tile_overlayer_lowered  }
0x9b: {  	s22 =	simm.s32 $0x1BFF;
	s21 =	sshll.u32 s5, $0x1;
	s2 =	sadd.s32 s19, s18  }
0x9c: {  	s6 =	simm.s32 $0x0;
	s20 =	sshll.u32 s4, $0x1;
	s4 =	sadd.s32 s21, s2  }
0x9d: {  	[timem:s6], [sflag:s22] =	dma.local [hbm:s4], s20  }
0x9e: {  	_ =	swait.ge [sflag:s22], s20  }
0x9f: {  	s3 =	ssub.s32 $0x0, s20;
	[sflag:s22] =	ssyncset.done $0x0  }
0xa0: {  	[sflag:s22] =	ssyncadd.s32 s3;
	_ =	sdelay $0x1  }
0xa1: {  	s23 =	simm.s32 $0x1B8B  }
0xa2: {  	_ =	swait.ge [sflag:s23], $0x1  }
0xa3: {  	[sflag:s23] =	ssyncset.done $0x0  }
0xa4: {  	s25 =	simm.s32 $0x1B8E;
	s24 =	sld [smem:$0x3FFE];
	[sflag:s23] =	ssyncadd.s32 $0xFFFFFFFF  }
0xa5: {  	s26 =	simm.s32 $execute0_lowered;
	[smem:$0x3FD2] =	sst s25  }
0xa6: {  	s4 =	sshll.u32 s26, $0x1;
	_ =	strace $0x8000004C;
	[dreg:$0x1] =	wrdreg $0xFFFFFFFF  }
0xa7: {  	s28 =	simm.s32 $_size_execute0_lowered;
	s2 =	sadd.s32 s2, s4;
	[dreg:$0x0] =	wrdreg $0x0  }
0xa8: {  	s4 =	sshll.u32 s28, $0x1;
	[dreg:$0x2] =	wrdreg s2  }
0xa9: {  	[dreg:$0x3] =	wrdreg s4  }
0xaa: {  	[dreg:$0x4] =	wrdreg $0xC0  }
0xab: {  	_ =	task [dreg:s6], $0x5FFFF  }
0xac: {  	[dreg:$0x1] =	wrdreg $0xFFFFFFFF  }
0xad: {  	[dreg:$0x0] =	wrdreg $0x60  }
0xae: {  	[dreg:$0x2] =	wrdreg s24  }
0xaf: {  	[dreg:$0x3] =	wrdreg $0x62200  }
0xb0: {  	[dreg:$0x4] =	wrdreg $0x9  }
0xb1: {  	_ =	task.clear_ibuf [dreg:s6], $0x5FFFF;
	_ =	strace $0x9000004C  }
0xb2: {  	s29 =	simm.s32 $0x9;
	_ =	strace $0x8000004E  }
0xb3: {  	_ =	swait.ge [sflag:s29], $0x1  }
0xb4: {  	[sflag:s29] =	ssyncadd.s32 $0xFFFFFFFF  }
0xb5: {  	_ =	strace $0x9000004E  }
0xb6: {  	_ =	sfence  }
0xb7: {  	s30 =	sld [smem:$0x0];
	_ =	sdelay $0x2  }
0xb8: {  	s31 =	sshll.u32 s1, $0xD;
	s1 =	sshrl.u32 s1, $0x2  }
0xb9: {  	s3 =	sand.u32 $0x4000, s31;
	s1 =	sadd.s32 s1, s30  }
0xba: {  	s0 =	sor.u32 s3, s0;
	s1 =	sshll.u32 s1, $0x11  }
0xbb: {  	s0 =	sor.u32 s1, s0  }
0xbc: {  	s0 =	sadd.s32 $0x8F2B, s0  }
0xbd: {  	[sflag:s0] =	ssyncadd.remote.s32 $0x1  }
0xbe: {  	_ =	sfence.sel $0xFFFF  }
0xbf: {  	[dreg:$0x0] =	wrdreg $0xFFFFFFFF;
	(pc) =	sbr.abs _section_cstart, $3  }
0xc0: {  	[dreg:$0x1] =	wrdreg $0xFFFFFFFF  }
0xc1: {  	_ =	task.clear_ibuf [dreg:s6], $0x2FFFF;
	_ =	strace $0x9FFFFFFF  }
0xc2: {  	(tm) =	ssettm $0x7FFFFFFF  }
0xc3: {  	_ =	shalt  }
tec
execute0_lowered:
.L_overlay_start_1:
0x0: {  	(tag) =	ssettag $0x1  }
0x1: {  	s6 =	rddreg [dreg:$0x0]  }
0x2: {  	s0 =	srdreg.scid;
	s2 =	rddreg [dreg:$0x1]  }
0x3: {  	s3 =	simm.s32 $0x0;
	s14 =	simm.s32 $0x50;
	s15 =	simm.s32 $0x4E20  }
0x4: {  	s16 =	simm.s32 $0x5820;
	s17 =	simm.s32 $0x1;
	s18 =	simm.s32 $0x2  }
0x5: {  	s19 =	simm.s32 $0x4DD0;
	s5 =	sand.u32 $0x1, s0;
	s0 =	stileid.u32  }
0x6: {  	s20 =	simm.s32 $0x0;
	[smem:$0x7FF] =	sst s3;
	s8 =	smul.u32 $0x4F00, s0  }
0x7: {  	s4 =	sadd.s32 $0x3F400, s6;
	s1 =	sshll.u32 s5, $0x4;
	s9 =	smul.u32 $0x4F000, s5  }
0x8: {  	s5 =	ssub.s32 $0x2, s5;
	s31 =	sshll.u32 s0, $0x6;
	s1 =	sor.u32 s0, s1  }
0x9: {  	s11 =	sshrl.u32 s5, $0x1;
	s7 =	smul.u32 $0x4E2, s1;
	s1 =	rddreg [dreg:$0x2]  }
0xa: {  	_ =	strace $0x8000004D;
	s29 =	sadd.s32 s8, s9;
	s30 =	sshrl.u32 s8, $0x3  }
0xb: {  	s11 =	ssub.s32 s5, s11;
	s13 =	sadd.s32 s8, s2;
	s9 =	sadd.s32 s30, s6  }
0xc: {  	s10 =	sadd.s32 s7, s6;
	s7 =	sshrl.u32 s29, $0x3;
	s5 =	sadd.s32 $0x49200, s9  }
0xd: {  	s12 =	sadd.s32 s7, s6;
	s6 =	sor.u32 $0x1C03, s31;
	s7 =	sadd.s32 $0xE400, s10  }
0xe: {  	s8 =	sadd.s32 $0x4600, s10;
	s10 =	smax.u32 s11, $0x1;
	s11 =	sshrl.u32 s13, $0x3  }
0xf: {  	s13 =	simm.s32 $0x2710;
	s9 =	sadd.s32 $0x7A200, s12;
	s12 =	simm.s32 $0x3  }
.LBB2_1:
0x10: {  	[spmem:s11], [sflag:s6] =	dma.local [hbm:s5], $0x9E0  }
0x11: {  	_ =	swait.ge [sflag:s12], $0x9E0  }
0x12: {  	[sflag:s12] =	ssyncset.done $0x0  }
0x13: {  	[sflag:s12] =	ssyncadd.s32 $0xFFFFF620  }
0x14: {  	[tilespmem:s3], [sflag:$0x3] =	stream.linear.gather [hbm4b:s7+s3], $0x2710, $0x38;
	[tilespmem:$0xB120] =	vst v63  }
0x15: {  	_ =	swait.ge [sflag:s12], $0x2710  }
0x16: {  	[sflag:s12] =	ssyncset.done $0x0  }
0x17: {  	[sflag:s12] =	ssyncadd.s32 $0xFFFFD8F0  }
0x18: {  	[tilespmem:s13], [sflag:$0x3] =	stream.linear.gather [hbm4b:s8+s3], $0x2710, $0x38;
	[tilespmem:$0xB120] =	vst v63  }
0x19: {  	_ =	swait.ge [sflag:s12], $0x2710  }
0x1a: {  	[sflag:s12] =	ssyncset.done $0x0  }
0x1b: {  	[sflag:s12] =	ssyncadd.s32 $0xFFFFD8F0  }
0x1c: {  	[bflag:$0x0] =	sbarrier.arrive $0xFFFF  }
0x1d: {  	[tilespmem:s15], [sflag:$0x1] =	stream.indirect.gather [hbm4b:s4+s14], $0x20, s3, s14, $0xb8;
	[tilespmem:$0xB120] =	vst v63  }
0x1e: {  	s21 =	simm.s32 $0x50  }
0x1f: {  	[tilespmem:s16], [sflag:$0x2] =	stream.indirect.gather [hbm4b:s4+s14], $0x20, s21, s14, $0xb8;
	[tilespmem:$0xB120] =	vst v63  }
0x20: {  	_ =	swait.ge [sflag:s17], $0xA00  }
0x21: {  	[sflag:s17] =	ssyncset.done $0x0  }
0x22: {  	s29 =	simm.s32 $0x2710;
	[sflag:s17] =	ssyncadd.s32 $0xFFFFF600  }
0x23: {  	[spmem:s2] =	stream.indirect.scatter.add.f32 [tilespmem:s15], [sflag:$0x3], $0x20, s29, s14, $0xb8;
	[tilespmem:$0xB120] =	vst v63  }
0x24: {  	_ =	swait.ge [sflag:s12], $0xA00  }
0x25: {  	[sflag:s12] =	ssyncset.done $0x0  }
0x26: {  	s30 =	simm.s32 $0xA0;
	[sflag:s12] =	ssyncadd.s32 $0xFFFFF600  }
0x27: {  	[tilespmem:s15], [sflag:$0x1] =	stream.indirect.gather [hbm4b:s4+s14], $0x20, s30, s14, $0xb8;
	[tilespmem:$0xB120] =	vst v63  }
0x28: {  	_ =	swait.ge [sflag:s18], $0xA00  }
0x29: {  	[sflag:s18] =	ssyncset.done $0x0  }
0x2a: {  	s31 =	simm.s32 $0x2760;
	[sflag:s18] =	ssyncadd.s32 $0xFFFFF600  }
0x2b: {  	[spmem:s2] =	stream.indirect.scatter.add.f32 [tilespmem:s16], [sflag:$0x3], $0x20, s31, s14, $0xb8;
	[tilespmem:$0xB120] =	vst v63  }
0x2c: {  	_ =	swait.ge [sflag:s12], $0xA00  }
0x2d: {  	s22 =	simm.s32 $0x500;
	s21 =	simm.s32 $0xA0;
	[sflag:s12] =	ssyncset.done $0x0  }
.LBB2_2:
0x2e: {  	s23 =	sadd.s32 $0x50, s21  }
0x2f: {  	[sflag:s12] =	ssyncadd.s32 $0xFFFFF600;
	s24 =	smov.u32 s22;
	s25 =	sadd.s32 $0x280, s22  }
0x30: {  	[tilespmem:s16], [sflag:$0x2] =	stream.indirect.gather [hbm4b:s4+s14], $0x20, s23, s14, $0xb8;
	[tilespmem:$0xB120] =	vst v63  }
0x31: {  	p0 =	sne.s32 s22, $0x9880;
	_ =	swait.ge [sflag:s17], $0xA00  }
0x32: {  	[sflag:s17] =	ssyncset.done $0x0  }
0x33: {  	s22 =	sadd.s32 $0x2710, s21;
	[sflag:s17] =	ssyncadd.s32 $0xFFFFF600  }
0x34: {  	[spmem:s2] =	stream.indirect.scatter.add.f32 [tilespmem:s15], [sflag:$0x3], $0x20, s22, s14, $0xb8;
	[tilespmem:$0xB120] =	vst v63  }
0x35: {  	_ =	swait.ge [sflag:s12], $0xA00  }
0x36: {  	[sflag:s12] =	ssyncset.done $0x0  }
0x37: {  	s22 =	sadd.s32 $0xA0, s21;
	[sflag:s12] =	ssyncadd.s32 $0xFFFFF600  }
0x38: {  	[tilespmem:s15], [sflag:$0x1] =	stream.indirect.gather [hbm4b:s4+s14], $0x20, s22, s14, $0xb8;
	[tilespmem:$0xB120] =	vst v63  }
0x39: {  	_ =	swait.ge [sflag:s18], $0xA00  }
.Ltmp0:
0x3a: {  	[sflag:s18] =	ssyncset.done $0x0;
	(pc) =	sbr.rel @p0 .LBB2_2-.Ltmp0, $4  }
0x3b: {  	s21 =	sadd.s32 $0x2760, s21;
	[sflag:s18] =	ssyncadd.s32 $0xFFFFF600  }
0x3c: {  	[spmem:s2] =	stream.indirect.scatter.add.f32 [tilespmem:s16], [sflag:$0x3], $0x20, s21, s14, $0xb8;
	[tilespmem:$0xB120] =	vst v63  }
0x3d: {  	_ =	swait.ge [sflag:s12], $0xA00  }
0x3e: {  	s22 =	smov.u32 s25;
	s21 =	sshra.s32 s24, $0x2;
	[sflag:s12] =	ssyncset.done $0x0  }
0x3f: {  	s22 =	sadd.s32 $0x50, s21;
	[sflag:s12] =	ssyncadd.s32 $0xFFFFF600  }
0x40: {  	[tilespmem:s16], [sflag:$0x2] =	stream.indirect.gather [hbm4b:s4+s14], $0x20, s22, s14, $0xb8;
	[tilespmem:$0xB120] =	vst v63  }
0x41: {  	_ =	swait.ge [sflag:s17], $0xA00  }
0x42: {  	[sflag:s17] =	ssyncset.done $0x0  }
0x43: {  	s29 =	sadd.s32 $0x2710, s21;
	[sflag:s17] =	ssyncadd.s32 $0xFFFFF600  }
0x44: {  	[spmem:s2] =	stream.indirect.scatter.add.f32 [tilespmem:s15], [sflag:$0x3], $0x20, s29, s14, $0xb8;
	[tilespmem:$0xB120] =	vst v63  }
0x45: {  	_ =	swait.ge [sflag:s12], $0xA00  }
0x46: {  	[sflag:s12] =	ssyncset.done $0x0  }
0x47: {  	s30 =	sadd.s32 $0xA0, s21;
	[sflag:s12] =	ssyncadd.s32 $0xFFFFF600  }
0x48: {  	[tilespmem:s15], [sflag:$0x1] =	stream.indirect.gather [hbm4b:s4+s14], $0x20, s30, s14, $0xb8;
	[tilespmem:$0xB120] =	vst v63  }
0x49: {  	_ =	swait.ge [sflag:s18], $0xA00  }
0x4a: {  	[sflag:s18] =	ssyncset.done $0x0  }
0x4b: {  	s31 =	sadd.s32 $0x2760, s21;
	[sflag:s18] =	ssyncadd.s32 $0xFFFFF600  }
0x4c: {  	[spmem:s2] =	stream.indirect.scatter.add.f32 [tilespmem:s16], [sflag:$0x3], $0x20, s31, s14, $0xb8;
	[tilespmem:$0xB120] =	vst v63  }
0x4d: {  	_ =	swait.ge [sflag:s12], $0xA00  }
0x4e: {  	[sflag:s12] =	ssyncset.done $0x0  }
0x4f: {  	[sflag:s12] =	ssyncadd.s32 $0xFFFFF600  }
0x50: {  	_ =	swait.ge [sflag:s17], $0xA00  }
0x51: {  	[sflag:s17] =	ssyncset.done $0x0  }
0x52: {  	[sflag:s17] =	ssyncadd.s32 $0xFFFFF600  }
0x53: {  	[spmem:s2] =	stream.indirect.scatter.add.f32 [tilespmem:s15], [sflag:$0x3], $0x20, s19, s14, $0xb8;
	[tilespmem:$0xB120] =	vst v63  }
0x54: {  	_ =	swait.ge [sflag:s12], $0xA00  }
0x55: {  	s20 =	sadd.s32 $0x1, s20;
	[sflag:s12] =	ssyncset.done $0x0  }
0x56: {  	p0 =	sne.s32 s20, s10;
	[sflag:s12] =	ssyncadd.s32 $0xFFFFF600  }
.Ltmp1:
0x57: {  	[bflag:$0x0] =	sbarrier.arrive $0xFFFF;
	(pc) =	sbr.rel @p0 .LBB2_1-.Ltmp1, $4  }
0x58: {  	[hbm:s9], [sflag:s6] =	dma.local [spmem:s11], $0x9E0  }
0x59: {  	_ =	swait.ge [sflag:s12], $0x9E0  }
0x5a: {  	[sflag:s12] =	ssyncset.done $0x0  }
0x5b: {  	[sflag:s12] =	ssyncadd.s32 $0xFFFFF620  }
0x5c: {  	_ =	sfence.sel $0x180000  }
0x5d: {  	[bflag:$0x0] =	sbarrier.arrive $0xFFFF  }
0x5e: {  	p0 =	sne.s32 s0, $0x0;
	_ =	strace $0x9000004D  }
0x5f: {  	s0 =	sadd.s32 @!p0 $0x100000, s1;
	[bflag:$0x2] =	sbarrier.arrive $0xFFFF  }
0x60: {  	[sflag:s0] =	ssyncadd.tile.s32 @!p0 $0x1;
	_ =	shalt  }
.Lfunc_end2:
_tile_overlayer_lowered:
.L_overlay_start_2:
0x61: {  	(tag) =	ssettag $0x2  }
0x62: {  	s0 =	rddreg [dreg:$0x0];
	s2 =	stileid.u32  }
0x63: {  	s1 =	rddreg [dreg:$0x1];
	p0 =	sne.s32 s2, $0x0  }
0x64: {  	s3 =	rddreg [dreg:$0x2];
	[bflag:$0x3] =	sbarrier.arrive $0xFFFF;
	s2 =	simm.s32 @!p0 $0x1C03  }
0x65: {  	[timem:s3], [sflag:s2] =	dma.local @!p0 [hbm:s0], s1  }
0x66: {  	s0 =	simm.s32 @!p0 $0x3  }
0x67: {  	_ =	swait.ge @!p0 [sflag:s0], s1  }
0x68: {  	s1 =	ssub.s32 @!p0 $0x0, s1;
	[sflag:s0] =	ssyncset.done @!p0 $0x0  }
0x69: {  	[sflag:s0] =	ssyncadd.s32 @!p0 s1  }
0x6a: {  	[bflag:$0x3] =	sbarrier.arrive $0xFFFF  }
0x6b: {  	_ =	shalt  }

// kernel: kernel.8.cloned.1.call-start
scs
__scs_entry_jumppad:
0x0: {  	(pc) =	sbr.rel $0x88, $3  }
0x1: {  	(tag) =	ssettag $0x0;
	lr =	simm.s32 $0x1  }
0x2: {  	[smem:$0x3F89] =	sst lr;
	_ =	strace $0xD0000000  }
0x3: {  	_ = 	snop  }
0x4: {  	_ = 	snop  }
0x5: {  	_ = 	snop  }
0x6: {  	_ = 	snop  }
0x7: {  	_ = 	snop  }
__scs_overlays_trampoline_lowered:
0x8: {  	[smem:$0x3F98] =	sst s0  }
0x9: {  	[smem:$0x3F99] =	sst s1  }
0xa: {  	[smem:$0x3F9A] =	sst s2  }
0xb: {  	[smem:$0x3F9B] =	sst s3  }
0xc: {  	[smem:$0x3F9C] =	sst s4  }
0xd: {  	[smem:$0x3F9D] =	sst s5  }
0xe: {  	[smem:$0x3F9E] =	sst s6  }
0xf: {  	[smem:$0x3F9F] =	sst s7  }
0x10: {  	[smem:$0x3FA0] =	sst s8  }
0x11: {  	[smem:$0x3FA1] =	sst s9;
	s0 =	simm.s32 @!p0 $0x0  }
0x12: {  	s1 =	sld [smem:$0x3F87];
	s0 =	simm.s32 @p0 $0x1  }
0x13: {  	[smem:$0x3FA2] =	sst s0;
	s0 =	simm.s32 @!p1 $0x0  }
0x14: {  	s2 =	sld [smem:$0x3F86];
	s0 =	simm.s32 @p1 $0x1  }
0x15: {  	[smem:$0x3FA3] =	sst s0;
	s0 =	simm.s32 @!p2 $0x0  }
0x16: {  	s3 =	sld [smem:$0x3FDB];
	s0 =	simm.s32 @p2 $0x1  }
0x17: {  	s4 =	simm.s32 $0x1BF5;
	[smem:$0x3FA5] =	sst s0  }
0x18: {  	s0 =	sld [smem:$0x3F88];
	_ =	swait.ge [sflag:s4], $0x0  }
0x19: {  	s7 =	sld [smem:$0x3F89]  }
0x1a: {  	s8 =	sadd.s32 $0xFFFFE003, lr  }
0x1b: {  	s9 =	sadd.s32 $0xFFFFFEF7, lr;
	s5 =	simm.s32 $0xFFFFFFFF;
	p2 =	slt.u32 s8, $0xFFFFF086  }
0x1c: {  	p1 =	slt.u32 s9, $0xF7A;
	s5 =	simm.s32 @!p2 $0x0  }
0x1d: {  	s5 =	simm.s32 @p1 $0x1;
	p0 =	seq.s32 s7, s2  }
0x1e: {  	s7 =	smul.u32 @!p0 $0xF7A, s2;
	p2 =	seq.s32 @!p0 s5, $0x0  }
0x1f: {  	s9 =	smul.u32 $0xF7A, s1;
	s8 =	simm.s32 @!p0 $0x1BF5;
	p2 =	por !p2, p0  }
0x20: {  	[sflag:s8] =	ssyncset.s32 @!p0 $0xFFFFF086;
	s6 =	sadd.s32 @!p0 s3, s7;
	s7 =	simm.s32 @!p0 $0x108  }
0x21: {  	s3 =	sadd.s32 s3, s9;
	s6 =	sadd.s32 @!p0 $0x88, s6;
	s7 =	simm.s32 @p2 $0x1082  }
0x22: {  	[simem:s7], [sflag:s8] =	dma.local @!p0 [hbm:s6], $0xF7A  }
0x23: {  	s9 =	sor.u32 $0xD0000000, s2;
	s6 =	simm.s32 $0x108;
	_ =	swait.ge @!p0 [sflag:s8], $0x0  }
0x24: {  	s3 =	sadd.s32 $0x88, s3;
	s6 =	simm.s32 @!p1 $0x1082;
	[sflag:s4] =	ssyncset.s32 $0xFFFFF086  }
0x25: {  	[simem:s6], [sflag:s4] =	dma.local [hbm:s3], $0xF7A  }
0x26: {  	[smem:$0x3F89] =	sst s1;
	(tag) =	ssettag s2;
	_ =	strace s9  }
0x27: {  	s1 =	sld [smem:$0x3F99]  }
0x28: {  	s2 =	sld [smem:$0x3F9A]  }
0x29: {  	s4 =	sld [smem:$0x3F9C]  }
0x2a: {  	p0 =	seq.s32 s5, $0x0;
	s5 =	sld [smem:$0x3F9D]  }
0x2b: {  	s6 =	sld [smem:$0x3F9E]  }
0x2c: {  	s7 =	sld [smem:$0x3F9F]  }
0x2d: {  	s3 =	simm.s32 $0x108;
	s8 =	sld [smem:$0x3FA0]  }
0x2e: {  	s3 =	simm.s32 @!p0 $0x1082;
	s9 =	sld [smem:$0x3FA1]  }
0x2f: {  	lr =	sadd.s32 s0, s3;
	s0 =	sld [smem:$0x3F98]  }
0x30: {  	s3 =	sld [smem:$0x3F9B]  }
0x31: {  	[smem:$0x3FA4] =	sst s10  }
0x32: {  	s10 =	sld [smem:$0x3FA2];
	_ =	sdelay $0x3  }
0x33: {  	p0 =	seq.s32 s10, $0x1;
	s10 =	sld [smem:$0x3FA4];
	_ =	sdelay $0x3  }
0x34: {  	[smem:$0x3FA4] =	sst s10  }
0x35: {  	s10 =	sld [smem:$0x3FA3];
	_ =	sdelay $0x3  }
0x36: {  	p1 =	seq.s32 s10, $0x1;
	s10 =	sld [smem:$0x3FA4];
	_ =	sdelay $0x3  }
0x37: {  	[smem:$0x3FA4] =	sst s10  }
0x38: {  	s10 =	sld [smem:$0x3FA5]  }
0x39: {  	_ = 	snop;
	(pc) =	sbr.ind lr, $3  }
0x3a: {  	_ = 	snop  }
0x3b: {  	_ = 	snop  }
0x3c: {  	p2 =	seq.s32 s10, $0x1;
	s10 =	sld [smem:$0x3FA4]  }
0x3d: {  	_ =	shalt  }
0x3e: {  	_ =	shalt  }
0x3f: {  	_ =	shalt  }
0x40: {  	_ =	shalt  }
0x41: {  	_ =	shalt  }
0x42: {  	_ =	shalt  }
0x43: {  	_ =	shalt  }
0x44: {  	_ =	shalt  }
0x45: {  	_ =	shalt  }
0x46: {  	_ =	shalt  }
0x47: {  	_ =	shalt  }
0x48: {  	_ =	shalt  }
0x49: {  	_ =	shalt  }
0x4a: {  	_ =	shalt  }
0x4b: {  	_ =	shalt  }
0x4c: {  	_ =	shalt  }
0x4d: {  	_ =	shalt  }
0x4e: {  	_ =	shalt  }
0x4f: {  	_ =	shalt  }
0x50: {  	_ =	shalt  }
0x51: {  	_ =	shalt  }
0x52: {  	_ =	shalt  }
0x53: {  	_ =	shalt  }
0x54: {  	_ =	shalt  }
0x55: {  	_ =	shalt  }
0x56: {  	_ =	shalt  }
0x57: {  	_ =	shalt  }
0x58: {  	_ =	shalt  }
0x59: {  	_ =	shalt  }
0x5a: {  	_ =	shalt  }
0x5b: {  	_ =	shalt  }
0x5c: {  	_ =	shalt  }
0x5d: {  	_ =	shalt  }
0x5e: {  	_ =	shalt  }
0x5f: {  	_ =	shalt  }
0x60: {  	_ =	shalt  }
0x61: {  	_ =	shalt  }
0x62: {  	_ =	shalt  }
0x63: {  	_ =	shalt  }
0x64: {  	_ =	shalt  }
0x65: {  	_ =	shalt  }
0x66: {  	_ =	shalt  }
0x67: {  	_ =	shalt  }
0x68: {  	_ =	shalt  }
0x69: {  	_ =	shalt  }
0x6a: {  	_ =	shalt  }
0x6b: {  	_ =	shalt  }
0x6c: {  	_ =	shalt  }
0x6d: {  	_ =	shalt  }
0x6e: {  	_ =	shalt  }
0x6f: {  	_ =	shalt  }
0x70: {  	_ =	shalt  }
0x71: {  	_ =	shalt  }
0x72: {  	_ =	shalt  }
0x73: {  	_ =	shalt  }
0x74: {  	_ =	shalt  }
0x75: {  	_ =	shalt  }
0x76: {  	_ =	shalt  }
0x77: {  	_ =	shalt  }
0x78: {  	_ =	shalt  }
0x79: {  	_ =	shalt  }
0x7a: {  	_ =	shalt  }
0x7b: {  	_ =	shalt  }
0x7c: {  	_ =	shalt  }
0x7d: {  	_ =	shalt  }
0x7e: {  	_ =	shalt  }
0x7f: {  	_ =	shalt  }
0x80: {  	_ =	shalt  }
0x81: {  	_ =	shalt  }
0x82: {  	_ =	shalt  }
0x83: {  	_ =	shalt  }
0x84: {  	_ =	shalt  }
0x85: {  	_ =	shalt  }
0x86: {  	_ =	shalt  }
0x87: {  	_ =	shalt  }
.Lfunc_end0:
.L_simem_size_0:
called_computation_lowered:
.L_overlay_start_0:
0x88: {  	s2 =	sld [smem:$0x3FD9]  }
0x89: {  	s3 =	sld [smem:$0x3FFE];
	_ =	sdelay $0x1  }
0x8a: {  	s1 =	srdreg.scid  }
0x8b: {  	s0 =	sand.u32 $0x1, s1  }
0x8c: {  	s17 =	sshll.u32 s0, $0xA;
	s2 =	sadd.s32 s3, s2  }
0x8d: {  	s2 =	sadd.s32 s2, s17  }
0x8e: {  	[smem:$0x3FB0] =	sst s2  }
0x8f: {  	_ = 	snop  }
0x90: {  	s2 =	sld [smem:$0x3FC9];
	(tm) =	ssettm $0x1  }
0x91: {  	s18 =	sld [smem:$0x3FFB];
	_ =	sdelay $0x3  }
0x92: {  	_ =	strace s18  }
0x93: {  	s3 =	sld [smem:$0x3FFC];
	_ =	sdelay $0x3  }
0x94: {  	_ =	strace s3  }
0x95: {  	s3 =	sld [smem:$0x3FFD];
	_ =	sdelay $0x3  }
0x96: {  	_ =	strace s3  }
0x97: {  	_ =	strace $0x8FFFFFFF  }
0x98: {  	s19 =	sld [smem:$0x3FDB];
	_ =	sdelay $0x1  }
0x99: {  	s4 =	simm.s32 $_scs_section_size  }
0x9a: {  	s5 =	simm.s32 $_size__tile_overlayer_lowered;
	s6 =	simm.s32 $_tile_overlayer_lowered  }
0x9b: {  	s22 =	simm.s32 $0x1BFF;
	s21 =	sshll.u32 s6, $0x1;
	s3 =	sadd.s32 s4, s19  }
0x9c: {  	s7 =	simm.s32 $0x0;
	s20 =	sshll.u32 s5, $0x1;
	s5 =	sadd.s32 s21, s3  }
0x9d: {  	[timem:s7], [sflag:s22] =	dma.local [hbm:s5], s20  }
0x9e: {  	_ =	swait.ge [sflag:s22], s20  }
0x9f: {  	s4 =	ssub.s32 $0x0, s20;
	[sflag:s22] =	ssyncset.done $0x0  }
0xa0: {  	[sflag:s22] =	ssyncadd.s32 s4;
	_ =	sdelay $0x1  }
0xa1: {  	s23 =	simm.s32 $0x1B8B  }
0xa2: {  	_ =	swait.ge [sflag:s23], $0x1  }
0xa3: {  	[sflag:s23] =	ssyncset.done $0x0  }
0xa4: {  	s25 =	simm.s32 $0x1B8E;
	s24 =	sld [smem:$0x3FFE];
	[sflag:s23] =	ssyncadd.s32 $0xFFFFFFFF  }
0xa5: {  	s26 =	simm.s32 $execute0_lowered;
	[smem:$0x3FD2] =	sst s25  }
0xa6: {  	s5 =	sshll.u32 s26, $0x1;
	_ =	strace $0x80000046;
	[dreg:$0x1] =	wrdreg $0xFFFFFFFF  }
0xa7: {  	s28 =	simm.s32 $_size_execute0_lowered;
	s3 =	sadd.s32 s3, s5;
	[dreg:$0x0] =	wrdreg $0x0  }
0xa8: {  	s5 =	sshll.u32 s28, $0x1;
	[dreg:$0x2] =	wrdreg s3  }
0xa9: {  	[dreg:$0x3] =	wrdreg s5  }
0xaa: {  	[dreg:$0x4] =	wrdreg $0xC0  }
0xab: {  	_ =	task [dreg:s7], $0x5FFFF  }
0xac: {  	[dreg:$0x1] =	wrdreg $0xFFFFFFFF  }
0xad: {  	[dreg:$0x0] =	wrdreg $0x60  }
0xae: {  	[dreg:$0x2] =	wrdreg s2  }
0xaf: {  	[dreg:$0x3] =	wrdreg s24  }
0xb0: {  	[dreg:$0x4] =	wrdreg $0x9E200  }
0xb1: {  	[dreg:$0x5] =	wrdreg $0x9  }
0xb2: {  	_ =	task.clear_ibuf [dreg:s7], $0x6FFFF;
	_ =	strace $0x90000046  }
0xb3: {  	s29 =	simm.s32 $0x9;
	_ =	strace $0x80000048  }
0xb4: {  	_ =	swait.ge [sflag:s29], $0x1  }
0xb5: {  	[sflag:s29] =	ssyncadd.s32 $0xFFFFFFFF  }
0xb6: {  	_ =	strace $0x90000048  }
0xb7: {  	_ =	sfence  }
0xb8: {  	s30 =	sld [smem:$0x0];
	_ =	sdelay $0x2  }
0xb9: {  	s31 =	sshll.u32 s1, $0xD;
	s1 =	sshrl.u32 s1, $0x2  }
0xba: {  	s3 =	sand.u32 $0x4000, s31;
	s1 =	sadd.s32 s1, s30  }
0xbb: {  	s0 =	sor.u32 s3, s0;
	s1 =	sshll.u32 s1, $0x11  }
0xbc: {  	s0 =	sor.u32 s1, s0  }
0xbd: {  	s0 =	sadd.s32 $0x8F2B, s0  }
0xbe: {  	[sflag:s0] =	ssyncadd.remote.s32 $0x1  }
0xbf: {  	_ =	sfence.sel $0xFFFF  }
0xc0: {  	[dreg:$0x0] =	wrdreg $0xFFFFFFFF;
	(pc) =	sbr.abs _section_cstart, $3  }
0xc1: {  	[dreg:$0x1] =	wrdreg $0xFFFFFFFF  }
0xc2: {  	_ =	task.clear_ibuf [dreg:s7], $0x2FFFF;
	_ =	strace $0x9FFFFFFF  }
0xc3: {  	(tm) =	ssettm $0x7FFFFFFF  }
tec
execute0_lowered:
.L_overlay_start_1:
0x0: {  	(tag) =	ssettag $0x1  }
0x1: {  	s1 =	rddreg [dreg:$0x0]  }
0x2: {  	s0 =	srdreg.scid;
	s6 =	rddreg [dreg:$0x1]  }
0x3: {  	s3 =	rddreg [dreg:$0x2];
	s4 =	simm.s32 $0x0;
	s14 =	simm.s32 $0x50  }
0x4: {  	s15 =	simm.s32 $0x4E20;
	s16 =	simm.s32 $0x7620;
	s17 =	simm.s32 $0x1  }
0x5: {  	s18 =	simm.s32 $0x2;
	s5 =	sand.u32 $0x1, s0;
	s0 =	stileid.u32  }
0x6: {  	s19 =	simm.s32 $0x4DD0;
	s20 =	simm.s32 $0x0;
	s8 =	smul.u32 $0x13C00, s0  }
0x7: {  	[smem:$0x7FF] =	sst s4;
	s2 =	sshll.u32 s5, $0x4;
	s9 =	smul.u32 $0x13C000, s5  }
0x8: {  	s5 =	ssub.s32 $0x2, s5;
	s31 =	sshll.u32 s0, $0x6;
	s2 =	sor.u32 s0, s2  }
0x9: {  	s11 =	sshrl.u32 s5, $0x1;
	s7 =	smul.u32 $0x4E2, s2;
	s2 =	rddreg [dreg:$0x3]  }
0xa: {  	_ =	strace $0x80000047;
	s29 =	sadd.s32 s8, s9;
	s30 =	sshrl.u32 s8, $0x3  }
0xb: {  	s11 =	ssub.s32 s5, s11;
	s13 =	sadd.s32 s8, s3;
	s9 =	sadd.s32 s30, s6  }
0xc: {  	s10 =	sadd.s32 s7, s6;
	s7 =	sshrl.u32 s29, $0x3;
	s5 =	sadd.s32 $0x18200, s9  }
0xd: {  	s12 =	sadd.s32 s7, s6;
	s6 =	sor.u32 $0x1C03, s31;
	s7 =	sadd.s32 $0xE400, s10  }
0xe: {  	s8 =	sadd.s32 $0x4600, s10;
	s10 =	smax.u32 s11, $0x1;
	s11 =	sshrl.u32 s13, $0x3  }
0xf: {  	s13 =	simm.s32 $0x2710;
	s9 =	sadd.s32 $0x3FA00, s12;
	s12 =	simm.s32 $0x3  }
.LBB2_1:
0x10: {  	[spmem:s11], [sflag:s6] =	dma.local [hbm:s5], $0x2780  }
0x11: {  	_ =	swait.ge [sflag:s12], $0x2780  }
0x12: {  	[sflag:s12] =	ssyncset.done $0x0  }
0x13: {  	[sflag:s12] =	ssyncadd.s32 $0xFFFFD880  }
0x14: {  	[tilespmem:s4], [sflag:$0x3] =	stream.linear.gather [hbm4b:s7+s4], $0x2710, $0x38;
	[tilespmem:$0x1DA20] =	vst v63  }
0x15: {  	_ =	swait.ge [sflag:s12], $0x2710  }
0x16: {  	[sflag:s12] =	ssyncset.done $0x0  }
0x17: {  	[sflag:s12] =	ssyncadd.s32 $0xFFFFD8F0  }
0x18: {  	[tilespmem:s13], [sflag:$0x3] =	stream.linear.gather [hbm4b:s8+s4], $0x2710, $0x38;
	[tilespmem:$0x1DA20] =	vst v63  }
0x19: {  	_ =	swait.ge [sflag:s12], $0x2710  }
0x1a: {  	[sflag:s12] =	ssyncset.done $0x0  }
0x1b: {  	[sflag:s12] =	ssyncadd.s32 $0xFFFFD8F0  }
0x1c: {  	[bflag:$0x0] =	sbarrier.arrive $0xFFFF  }
0x1d: {  	[tilespmem:s15], [sflag:$0x1] =	stream.indirect.gather [hbm4b:s1+s14], $0x80, s4, s14, $0xb8;
	[tilespmem:$0x1DA20] =	vst v63  }
0x1e: {  	s21 =	simm.s32 $0x50  }
0x1f: {  	[tilespmem:s16], [sflag:$0x2] =	stream.indirect.gather [hbm4b:s1+s14], $0x80, s21, s14, $0xb8;
	[tilespmem:$0x1DA20] =	vst v63  }
0x20: {  	_ =	swait.ge [sflag:s17], $0x2800  }
0x21: {  	[sflag:s17] =	ssyncset.done $0x0  }
0x22: {  	s29 =	simm.s32 $0x2710;
	[sflag:s17] =	ssyncadd.s32 $0xFFFFD800  }
0x23: {  	[spmem:s3] =	stream.indirect.scatter.add.f32 [tilespmem:s15], [sflag:$0x3], $0x80, s29, s14, $0xb8;
	[tilespmem:$0x1DA20] =	vst v63  }
0x24: {  	_ =	swait.ge [sflag:s12], $0x2800  }
0x25: {  	[sflag:s12] =	ssyncset.done $0x0  }
0x26: {  	s30 =	simm.s32 $0xA0;
	[sflag:s12] =	ssyncadd.s32 $0xFFFFD800  }
0x27: {  	[tilespmem:s15], [sflag:$0x1] =	stream.indirect.gather [hbm4b:s1+s14], $0x80, s30, s14, $0xb8;
	[tilespmem:$0x1DA20] =	vst v63  }
0x28: {  	_ =	swait.ge [sflag:s18], $0x2800  }
0x29: {  	[sflag:s18] =	ssyncset.done $0x0  }
0x2a: {  	s31 =	simm.s32 $0x2760;
	[sflag:s18] =	ssyncadd.s32 $0xFFFFD800  }
0x2b: {  	[spmem:s3] =	stream.indirect.scatter.add.f32 [tilespmem:s16], [sflag:$0x3], $0x80, s31, s14, $0xb8;
	[tilespmem:$0x1DA20] =	vst v63  }
0x2c: {  	_ =	swait.ge [sflag:s12], $0x2800  }
0x2d: {  	s22 =	simm.s32 $0x500;
	s21 =	simm.s32 $0xA0;
	[sflag:s12] =	ssyncset.done $0x0  }
.LBB2_2:
0x2e: {  	s23 =	sadd.s32 $0x50, s21  }
0x2f: {  	[sflag:s12] =	ssyncadd.s32 $0xFFFFD800;
	s24 =	smov.u32 s22;
	s25 =	sadd.s32 $0x280, s22  }
0x30: {  	[tilespmem:s16], [sflag:$0x2] =	stream.indirect.gather [hbm4b:s1+s14], $0x80, s23, s14, $0xb8;
	[tilespmem:$0x1DA20] =	vst v63  }
0x31: {  	p0 =	sne.s32 s22, $0x9880;
	_ =	swait.ge [sflag:s17], $0x2800  }
0x32: {  	[sflag:s17] =	ssyncset.done $0x0  }
0x33: {  	s22 =	sadd.s32 $0x2710, s21;
	[sflag:s17] =	ssyncadd.s32 $0xFFFFD800  }
0x34: {  	[spmem:s3] =	stream.indirect.scatter.add.f32 [tilespmem:s15], [sflag:$0x3], $0x80, s22, s14, $0xb8;
	[tilespmem:$0x1DA20] =	vst v63  }
0x35: {  	_ =	swait.ge [sflag:s12], $0x2800  }
0x36: {  	[sflag:s12] =	ssyncset.done $0x0  }
0x37: {  	s22 =	sadd.s32 $0xA0, s21;
	[sflag:s12] =	ssyncadd.s32 $0xFFFFD800  }
0x38: {  	[tilespmem:s15], [sflag:$0x1] =	stream.indirect.gather [hbm4b:s1+s14], $0x80, s22, s14, $0xb8;
	[tilespmem:$0x1DA20] =	vst v63  }
0x39: {  	_ =	swait.ge [sflag:s18], $0x2800  }
.Ltmp0:
0x3a: {  	[sflag:s18] =	ssyncset.done $0x0;
	(pc) =	sbr.rel @p0 .LBB2_2-.Ltmp0, $4  }
0x3b: {  	s21 =	sadd.s32 $0x2760, s21;
	[sflag:s18] =	ssyncadd.s32 $0xFFFFD800  }
0x3c: {  	[spmem:s3] =	stream.indirect.scatter.add.f32 [tilespmem:s16], [sflag:$0x3], $0x80, s21, s14, $0xb8;
	[tilespmem:$0x1DA20] =	vst v63  }
0x3d: {  	_ =	swait.ge [sflag:s12], $0x2800  }
0x3e: {  	s22 =	smov.u32 s25;
	s21 =	sshra.s32 s24, $0x2;
	[sflag:s12] =	ssyncset.done $0x0  }
0x3f: {  	s22 =	sadd.s32 $0x50, s21;
	[sflag:s12] =	ssyncadd.s32 $0xFFFFD800  }
0x40: {  	[tilespmem:s16], [sflag:$0x2] =	stream.indirect.gather [hbm4b:s1+s14], $0x80, s22, s14, $0xb8;
	[tilespmem:$0x1DA20] =	vst v63  }
0x41: {  	_ =	swait.ge [sflag:s17], $0x2800  }
0x42: {  	[sflag:s17] =	ssyncset.done $0x0  }
0x43: {  	s29 =	sadd.s32 $0x2710, s21;
	[sflag:s17] =	ssyncadd.s32 $0xFFFFD800  }
0x44: {  	[spmem:s3] =	stream.indirect.scatter.add.f32 [tilespmem:s15], [sflag:$0x3], $0x80, s29, s14, $0xb8;
	[tilespmem:$0x1DA20] =	vst v63  }
0x45: {  	_ =	swait.ge [sflag:s12], $0x2800  }
0x46: {  	[sflag:s12] =	ssyncset.done $0x0  }
0x47: {  	s30 =	sadd.s32 $0xA0, s21;
	[sflag:s12] =	ssyncadd.s32 $0xFFFFD800  }
0x48: {  	[tilespmem:s15], [sflag:$0x1] =	stream.indirect.gather [hbm4b:s1+s14], $0x80, s30, s14, $0xb8;
	[tilespmem:$0x1DA20] =	vst v63  }
0x49: {  	_ =	swait.ge [sflag:s18], $0x2800  }
0x4a: {  	[sflag:s18] =	ssyncset.done $0x0  }
0x4b: {  	s31 =	sadd.s32 $0x2760, s21;
	[sflag:s18] =	ssyncadd.s32 $0xFFFFD800  }
0x4c: {  	[spmem:s3] =	stream.indirect.scatter.add.f32 [tilespmem:s16], [sflag:$0x3], $0x80, s31, s14, $0xb8;
	[tilespmem:$0x1DA20] =	vst v63  }
0x4d: {  	_ =	swait.ge [sflag:s12], $0x2800  }
0x4e: {  	[sflag:s12] =	ssyncset.done $0x0  }
0x4f: {  	[sflag:s12] =	ssyncadd.s32 $0xFFFFD800  }
0x50: {  	_ =	swait.ge [sflag:s17], $0x2800  }
0x51: {  	[sflag:s17] =	ssyncset.done $0x0  }
0x52: {  	[sflag:s17] =	ssyncadd.s32 $0xFFFFD800  }
0x53: {  	[spmem:s3] =	stream.indirect.scatter.add.f32 [tilespmem:s15], [sflag:$0x3], $0x80, s19, s14, $0xb8;
	[tilespmem:$0x1DA20] =	vst v63  }
0x54: {  	_ =	swait.ge [sflag:s12], $0x2800  }
0x55: {  	s20 =	sadd.s32 $0x1, s20;
	[sflag:s12] =	ssyncset.done $0x0  }
0x56: {  	p0 =	sne.s32 s20, s10;
	[sflag:s12] =	ssyncadd.s32 $0xFFFFD800  }
.Ltmp1:
0x57: {  	[bflag:$0x0] =	sbarrier.arrive $0xFFFF;
	(pc) =	sbr.rel @p0 .LBB2_1-.Ltmp1, $4  }
0x58: {  	[hbm:s9], [sflag:s6] =	dma.local [spmem:s11], $0x2780  }
0x59: {  	_ =	swait.ge [sflag:s12], $0x2780  }
0x5a: {  	[sflag:s12] =	ssyncset.done $0x0  }
0x5b: {  	[sflag:s12] =	ssyncadd.s32 $0xFFFFD880  }
0x5c: {  	_ =	sfence.sel $0x180000  }
0x5d: {  	[bflag:$0x0] =	sbarrier.arrive $0xFFFF  }
0x5e: {  	p0 =	sne.s32 s0, $0x0;
	_ =	strace $0x90000047  }
0x5f: {  	s0 =	sadd.s32 @!p0 $0x100000, s2;
	[bflag:$0x2] =	sbarrier.arrive $0xFFFF  }
0x60: {  	[sflag:s0] =	ssyncadd.tile.s32 @!p0 $0x1;
	_ =	shalt  }
.Lfunc_end2:
_tile_overlayer_lowered:
.L_overlay_start_2:
0x61: {  	(tag) =	ssettag $0x2  }
0x62: {  	s0 =	rddreg [dreg:$0x0];
	s2 =	stileid.u32  }
0x63: {  	s1 =	rddreg [dreg:$0x1];
	p0 =	sne.s32 s2, $0x0  }
0x64: {  	s3 =	rddreg [dreg:$0x2];
	[bflag:$0x3] =	sbarrier.arrive $0xFFFF;
	s2 =	simm.s32 @!p0 $0x1C03  }
0x65: {  	[timem:s3], [sflag:s2] =	dma.local @!p0 [hbm:s0], s1  }
0x66: {  	s0 =	simm.s32 @!p0 $0x3  }
0x67: {  	_ =	swait.ge @!p0 [sflag:s0], s1  }
0x68: {  	s1 =	ssub.s32 @!p0 $0x0, s1;
	[sflag:s0] =	ssyncset.done @!p0 $0x0  }
0x69: {  	[sflag:s0] =	ssyncadd.s32 @!p0 s1  }
0x6a: {  	[bflag:$0x3] =	sbarrier.arrive $0xFFFF  }
0x6b: {  	_ =	shalt  }

</sc_bundles>
